<compile_context>
chip_gen: v7x
topology: tpu7x:2x2x1
jax: 0.10.2.dev20260603
libtpu: 0.0.44.dev20260713+nightly
codegen_flags: <defaults>
</compile_context>

<pallas_src>
import functools

import jax
import jax.numpy as jnp
from jax import lax
from jax.experimental import pallas as pl
from jax.experimental.pallas import tpu as pltpu
from jax.experimental.pallas import tpu_sc as plsc

_NC = 2
_NS = 16
_NW = _NC * _NS
_LANES = 16
_CHUNK = 64
_IBLK = 8


def _sc_aggregate(x, src2, dst2, n_pad):
  d = x.shape[1]
  n_chunks = src2.shape[0]
  assert n_chunks % (_NW * _IBLK) == 0
  cpw = n_chunks // _NW
  nblk = cpw // _IBLK
  assert cpw % 4 == 0 and nblk >= 2
  rows_per_tile = n_pad // _NS
  assert n_pad % _NS == 0 and rows_per_tile % 8 == 0
  zr = 64
  assert rows_per_tile % zr == 0 and d * 4 >= zr

  mesh = plsc.VectorSubcoreMesh(core_axis_name="c", subcore_axis_name="s")

  @functools.partial(
      pl.kernel,
      mesh=mesh,
      out_type=jax.ShapeDtypeStruct((_NC, n_pad, d), jnp.float32),
      scratch_types=[
          pltpu.VMEM_SHARED((n_pad, d), jnp.float32),
          pltpu.VMEM((2 * _IBLK, _CHUNK), jnp.int32),
          pltpu.VMEM((2 * _IBLK, _CHUNK), jnp.int32),
          pltpu.VMEM((_CHUNK, d), jnp.float32),
          pltpu.VMEM((_CHUNK, d), jnp.float32),
          pltpu.VMEM((_CHUNK, d), jnp.float32),
          pltpu.VMEM((_CHUNK, d), jnp.float32),
          pltpu.SemaphoreType.DMA,
          pltpu.SemaphoreType.DMA,
          pltpu.SemaphoreType.DMA,
          pltpu.SemaphoreType.DMA,
          pltpu.SemaphoreType.DMA,
      ],
  )
  def agg_kernel(x_hbm, src_hbm, dst_hbm, out_hbm, acc, src_ib, dst_ib,
                 rows0, rows1, rows2, rows3, isem, gsem0, gsem1, gsem2,
                 gsem3):
    c = lax.axis_index("c")
    s = lax.axis_index("s")
    wid = s * _NC + c
    blk0 = wid * nblk

    def start_idx(b):
      slot = pl.multiple_of((b % 2) * _IBLK, _IBLK)
      hb = pl.multiple_of((blk0 + b) * _IBLK, _IBLK)
      pltpu.async_copy(src_hbm.at[pl.ds(hb, _IBLK)],
                       src_ib.at[pl.ds(slot, _IBLK)], isem)
      pltpu.async_copy(dst_hbm.at[pl.ds(hb, _IBLK)],
                       dst_ib.at[pl.ds(slot, _IBLK)], isem)

    def wait_idx(b):
      slot = pl.multiple_of((b % 2) * _IBLK, _IBLK)
      hb = pl.multiple_of((blk0 + b) * _IBLK, _IBLK)
      pltpu.make_async_copy(src_hbm.at[pl.ds(hb, _IBLK)],
                            src_ib.at[pl.ds(slot, _IBLK)], isem).wait()
      pltpu.make_async_copy(dst_hbm.at[pl.ds(hb, _IBLK)],
                            dst_ib.at[pl.ds(slot, _IBLK)], isem).wait()

    start_idx(0)

    zero = jnp.zeros((_LANES,), jnp.float32)

    def zrow(r, carry):
      def zcol(j, carry2):
        rows0[r, pl.ds(j * _LANES, _LANES)] = zero
        return carry2

      return lax.fori_loop(0, d // _LANES, zcol, carry)

    lax.fori_loop(0, zr, zrow, 0)

    row0 = s * rows_per_tile

    def zcopy(t, carry):
      pltpu.sync_copy(rows0.at[pl.ds(0, zr)], acc.at[pl.ds(row0 + t * zr, zr)])
      return carry

    lax.fori_loop(0, rows_per_tile // zr, zcopy, 0)
    wait_idx(0)

    rows = (rows0, rows1, rows2, rows3)
    gsems = (gsem0, gsem1, gsem2, gsem3)
    nbuf = len(rows)
    lka = nbuf - 1

    def start_gather(i, j):
      pltpu.async_copy(x_hbm.at[src_ib.at[i % (2 * _IBLK)]], rows[j], gsems[j])

    def wait_gather(i, j):
      pltpu.make_async_copy(x_hbm.at[src_ib.at[i % (2 * _IBLK)]], rows[j],
                            gsems[j]).wait()

    for j in range(lka):
      start_gather(j, j)
    start_idx(1)
    plsc.subcore_barrier()

    def body(t, carry):
      for j in range(nbuf):
        i = t * nbuf + j
        b = i // _IBLK
        r = i % _IBLK

        @pl.when((r == _IBLK - 1 - lka) & (b + 1 < nblk))
        def _():
          wait_idx(b + 1)

        @pl.when(i + lka < cpw)
        def _():
          start_gather(i + lka, (j + lka) % nbuf)

        wait_gather(i, j)
        pltpu.sync_copy(rows[j], acc.at[dst_ib.at[i % (2 * _IBLK)]], add=True)

        @pl.when((r == _IBLK - 1) & (b + 2 < nblk))
        def _():
          start_idx(b + 2)

      return carry

    lax.fori_loop(0, cpw // nbuf, body, 0)
    plsc.subcore_barrier()

    pltpu.sync_copy(
        acc.at[pl.ds(row0, rows_per_tile)],
        out_hbm.at[c, pl.ds(row0, rows_per_tile)],
    )

  return agg_kernel(x, src2, dst2)


def _tc_linear_relu(p0, p1, w_t, b2):
  n_nodes, d = p0.shape
  blk = 1024
  assert n_nodes % blk == 0

  def body(p0_ref, p1_ref, wt_ref, b_ref, o_ref):
    agg = p0_ref[...] + p1_ref[...]
    y = jnp.dot(agg, wt_ref[...], preferred_element_type=jnp.float32)
    o_ref[...] = jnp.maximum(y + b_ref[...], 0.0)

  return pl.pallas_call(
      body,
      grid=(n_nodes // blk,),
      in_specs=[
          pl.BlockSpec((blk, d), lambda i: (i, 0)),
          pl.BlockSpec((blk, d), lambda i: (i, 0)),
          pl.BlockSpec((d, d), lambda i: (0, 0)),
          pl.BlockSpec((1, d), lambda i: (0, 0)),
      ],
      out_specs=pl.BlockSpec((blk, d), lambda i: (i, 0)),
      out_shape=jax.ShapeDtypeStruct((n_nodes, d), jnp.float32),
  )(p0, p1, w_t, b2)


def kernel(x, edge_index, W, b):
  src = edge_index[0].astype(jnp.int32)
  dst = edge_index[1].astype(jnp.int32)
  n_nodes = x.shape[0]
  n_edges = src.shape[0]

  n_pad = n_nodes
  while n_pad % 1024 != 0 or (n_pad // _NS) % 8 != 0:
    n_pad += 1
  pad_rows = n_pad - n_nodes

  unit = _CHUNK * _NW * _IBLK
  e_pad = ((n_edges + unit - 1) // unit) * unit
  extra = e_pad - n_edges
  if extra and pad_rows == 0:
    n_pad += 1
    while n_pad % 1024 != 0 or (n_pad // _NS) % 8 != 0:
      n_pad += 1
    pad_rows = n_pad - n_nodes
  if extra:
    fill = jnp.arange(extra, dtype=jnp.int32)
    src = jnp.concatenate([src, fill % n_nodes])
    dst = jnp.concatenate([dst, n_nodes + fill % max(pad_rows, 1)])
  src2 = src.reshape(-1, _CHUNK)
  dst2 = dst.reshape(-1, _CHUNK)

  partials = _sc_aggregate(x, src2, dst2, n_pad)
  h = _tc_linear_relu(partials[0], partials[1], W.T, b.reshape(1, -1))
  return h[:n_nodes]

# --- scband reference (transcript-rebuilt; emitter-appended) ---
"""Pipeline reference for scband-gcn-83683142795703 (READ-ONLY COPY).

The authoritative reference and input builder live on the scoring server;
editing this copy changes nothing except your own understanding.
"""

import jax, jax.numpy as jnp
import numpy as np

N_NODES = 10000
N_EDGES = 320000
D_FEAT = 128
N_HIDDEN = 128


def setup_inputs(seed: int = 0) -> dict:
    key = jax.random.key(seed)
    k1, k2, k3, k4 = jax.random.split(key, 4)
    x = jax.random.normal(k1, (N_NODES, D_FEAT), dtype=jnp.float32)
    edge_index = jax.random.randint(k2, (2, N_EDGES), 0, N_NODES, dtype=jnp.int64)
    # nn.Linear(in_feats, out_feats): W is [out, in], b is [out]
    bound = 1.0 / np.sqrt(D_FEAT)
    W = jax.random.uniform(k3, (N_HIDDEN, D_FEAT), dtype=jnp.float32, minval=-bound, maxval=bound)
    b = jax.random.uniform(k4, (N_HIDDEN,), dtype=jnp.float32, minval=-bound, maxval=bound)
    return {"x": x, "edge_index": edge_index, "W": W, "b": b}


def reference(x, edge_index, W, b):
    # DGL GCN: message = copy_src('h'), reduce = sum -> h; then apply_nodes: relu(Linear(h))
    src = edge_index[0]
    dst = edge_index[1]
    msgs = jnp.take(x, src, axis=0)                      # gather: copy_src
    agg = jax.ops.segment_sum(msgs, dst, num_segments=N_NODES)  # scatter-add: fn.sum
    h = agg @ W.T + b                                    # NodeApplyModule linear
    h = jax.nn.relu(h)                                   # activation
    return h

if __name__ == "__main__":
    import jax
    _d = setup_inputs()
    print(jax.jit(kernel)(*tuple(_d.values())))

</pallas_src>

<mosaic_0001>
#map = affine_map<(d0, d1) -> (0, 0)>
#map1 = affine_map<(d0, d1) -> (0, 0, 0)>
module attributes {stable_mosaic.version = 14 : i64} {
  func.func @agg_kernel(%arg0: i32, %arg1: i32, %arg2: memref<10000x128xf32, #tpu.memory_space<hbm>>, %arg3: memref<5120x64xi32, #tpu.memory_space<hbm>>, %arg4: memref<5120x64xi32, #tpu.memory_space<hbm>>, %arg5: memref<2x10240x128xf32, #tpu.memory_space<hbm>>, %arg6: memref<10240x128xf32, #tpu.memory_space<vmem_shared>>, %arg7: memref<16x64xi32, #tpu.memory_space<vmem>>, %arg8: memref<16x64xi32, #tpu.memory_space<vmem>>, %arg9: memref<64x128xf32, #tpu.memory_space<vmem>>, %arg10: memref<64x128xf32, #tpu.memory_space<vmem>>, %arg11: memref<64x128xf32, #tpu.memory_space<vmem>>, %arg12: memref<64x128xf32, #tpu.memory_space<vmem>>, %arg13: memref<!tpu.dma_semaphore, #tpu.memory_space<semaphore_mem>>, %arg14: memref<!tpu.dma_semaphore, #tpu.memory_space<semaphore_mem>>, %arg15: memref<!tpu.dma_semaphore, #tpu.memory_space<semaphore_mem>>, %arg16: memref<!tpu.dma_semaphore, #tpu.memory_space<semaphore_mem>>, %arg17: memref<!tpu.dma_semaphore, #tpu.memory_space<semaphore_mem>>) attributes {dimension_semantics = [#tpu.dimension_semantics<core_parallel>, #tpu.dimension_semantics<subcore_parallel>], iteration_bounds = array<i64: 2, 16>, scalar_prefetch = 0 : i64, scratch_operands = 12 : i64, tpu.core_type = #tpu.core_type<sc_vector_subcore>, window_params = [{transform_indices = #map}, {transform_indices = #map}, {transform_indices = #map}, {transform_indices = #map1}]} {
    %mul3A = arith.constant 2 : i32
    %mul3A_0 = arith.muli %arg1, %mul3A : i32
    %add3A = arith.addi %mul3A_0, %arg0 : i32
    %mul3A_1 = arith.constant 20 : i32
    %mul3A_2 = arith.muli %add3A, %mul3A_1 : i32
    %multiple_of3A = arith.constant 0 : i32
    %multiple_of3A_3 = tpu.assume_multiple %multiple_of3A, 8 : i32
    %add3A_4 = arith.constant 0 : i32
    %add3A_5 = arith.addi %mul3A_2, %add3A_4 : i32
    %mul3A_6 = arith.constant 8 : i32
    %mul3A_7 = arith.muli %add3A_5, %mul3A_6 : i32
    %multiple_of3A_8 = tpu.assume_multiple %mul3A_7, 8 : i32
    %dma_start3A = arith.constant 0 : i32
    %dma_start3A_9 = tpu.memref_slice %arg7[%multiple_of3A_3, %dma_start3A] : memref<16x64xi32, #tpu.memory_space<vmem>> -> memref<8x64xi32, #tpu.memory_space<vmem>>
    %dma_start3A_10 = arith.constant 0 : i32
    %dma_start3A_11 = tpu.memref_slice %arg3[%multiple_of3A_8, %dma_start3A_10] : memref<5120x64xi32, #tpu.memory_space<hbm>> -> memref<8x64xi32, #tpu.memory_space<hbm>>
    %dma_start3A_12 = arith.constant 0 : i32
    %dma_start3A_13 = tpu.memref_slice %arg7[%multiple_of3A_3, %dma_start3A_12] : memref<16x64xi32, #tpu.memory_space<vmem>> -> memref<8x64xi32, #tpu.memory_space<vmem>>
    %dma_start3A_14 = arith.constant 0 : i32
    %dma_start3A_15 = tpu.memref_slice %arg3[%multiple_of3A_8, %dma_start3A_14] : memref<5120x64xi32, #tpu.memory_space<hbm>> -> memref<8x64xi32, #tpu.memory_space<hbm>>
    tpu.enqueue_dma source(%dma_start3A_15 : memref<8x64xi32, #tpu.memory_space<hbm>>) target(%dma_start3A_13 : memref<8x64xi32, #tpu.memory_space<vmem>>) target_semaphore(%arg13 : memref<!tpu.dma_semaphore, #tpu.memory_space<semaphore_mem>>)
    %dma_start3A_16 = arith.constant 0 : i32
    %dma_start3A_17 = tpu.memref_slice %arg8[%multiple_of3A_3, %dma_start3A_16] : memref<16x64xi32, #tpu.memory_space<vmem>> -> memref<8x64xi32, #tpu.memory_space<vmem>>
    %dma_start3A_18 = arith.constant 0 : i32
    %dma_start3A_19 = tpu.memref_slice %arg4[%multiple_of3A_8, %dma_start3A_18] : memref<5120x64xi32, #tpu.memory_space<hbm>> -> memref<8x64xi32, #tpu.memory_space<hbm>>
    %dma_start3A_20 = arith.constant 0 : i32
    %dma_start3A_21 = tpu.memref_slice %arg8[%multiple_of3A_3, %dma_start3A_20] : memref<16x64xi32, #tpu.memory_space<vmem>> -> memref<8x64xi32, #tpu.memory_space<vmem>>
    %dma_start3A_22 = arith.constant 0 : i32
    %dma_start3A_23 = tpu.memref_slice %arg4[%multiple_of3A_8, %dma_start3A_22] : memref<5120x64xi32, #tpu.memory_space<hbm>> -> memref<8x64xi32, #tpu.memory_space<hbm>>
    tpu.enqueue_dma source(%dma_start3A_23 : memref<8x64xi32, #tpu.memory_space<hbm>>) target(%dma_start3A_21 : memref<8x64xi32, #tpu.memory_space<vmem>>) target_semaphore(%arg13 : memref<!tpu.dma_semaphore, #tpu.memory_space<semaphore_mem>>)
    %broadcast_in_dim3A = arith.constant 0.000000e+00 : f32
    %broadcast_in_dim3A_24 = vector.broadcast %broadcast_in_dim3A : f32 to vector<16xf32>
    %scan3A = arith.constant 0 : i32
    %scan3A_25 = arith.constant 0 : i32
    %scan3A_26 = arith.constant 64 : i32
    %scan3A_27 = arith.addi %scan3A_25, %scan3A_26 : i32
    %scan3A_28 = arith.constant 1 : i32
    scf.for %scan3A_111 = %scan3A_25 to %scan3A_27 step %scan3A_28  : i32 {
      %scan3A_112 = arith.constant 0 : i32
      %scan3A_113 = arith.constant 8 : i32
      %scan3A_114 = arith.addi %scan3A_112, %scan3A_113 : i32
      %scan3A_115 = arith.constant 1 : i32
      scf.for %scan3A_117 = %scan3A_112 to %scan3A_114 step %scan3A_115  : i32 {
        %mul3A_118 = arith.constant 16 : i32
        %mul3A_119 = arith.muli %scan3A_117, %mul3A_118 : i32
        %swap3A = arith.index_cast %scan3A_111 : i32 to index
        %swap3A_120 = arith.index_cast %mul3A_119 : i32 to index
        %swap3A_121 = tpu.vector_load %arg9[%swap3A, %swap3A_120] {strides = array<i32>} : memref<64x128xf32, #tpu.memory_space<vmem>>, vector<1x16xf32>,
        %swap3A_122 = vector.shape_cast %swap3A_121 : vector<1x16xf32> to vector<16xf32>
        %swap3A_123 = vector.shape_cast %broadcast_in_dim3A_24 : vector<16xf32> to vector<1x16xf32>
        tpu.vector_store %arg9[%swap3A, %swap3A_120], %swap3A_123 {strides = array<i32>} : memref<64x128xf32, #tpu.memory_space<vmem>>, vector<1x16xf32>,
      }
      %scan3A_116 = arith.constant 8 : i32
    }
    %scan3A_29 = arith.constant 64 : i32
    %mul3A_30 = arith.constant 640 : i32
    %mul3A_31 = arith.muli %arg1, %mul3A_30 : i32
    %scan3A_32 = arith.constant 0 : i32
    %scan3A_33 = arith.constant 0 : i32
    %scan3A_34 = arith.constant 10 : i32
    %scan3A_35 = arith.addi %scan3A_33, %scan3A_34 : i32
    %scan3A_36 = arith.constant 1 : i32
    scf.for %scan3A_111 = %scan3A_33 to %scan3A_35 step %scan3A_36  : i32 {
      %mul3A_112 = arith.constant 64 : i32
      %mul3A_113 = arith.muli %scan3A_111, %mul3A_112 : i32
      %add3A_114 = arith.addi %mul3A_31, %mul3A_113 : i32
      "tpu.region"() ({
        %run_scoped3A = tpu.sem_alloc : memref<!tpu.dma_semaphore, #tpu.memory_space<semaphore_mem>>
        %dma_start3A_115 = arith.constant 0 : i32
        %dma_start3A_116 = arith.constant 0 : i32
        %dma_start3A_117 = tpu.memref_slice %arg9[%dma_start3A_115, %dma_start3A_116] : memref<64x128xf32, #tpu.memory_space<vmem>> -> memref<64x128xf32, #tpu.memory_space<vmem>>
        %dma_start3A_118 = arith.constant 0 : i32
        %dma_start3A_119 = tpu.memref_slice %arg6[%add3A_114, %dma_start3A_118] : memref<10240x128xf32, #tpu.memory_space<vmem_shared>> -> memref<64x128xf32, #tpu.memory_space<vmem_shared>>
        %dma_start3A_120 = arith.constant 0 : i32
        %dma_start3A_121 = tpu.memref_slice %arg6[%add3A_114, %dma_start3A_120] : memref<10240x128xf32, #tpu.memory_space<vmem_shared>> -> memref<64x128xf32, #tpu.memory_space<vmem_shared>>
        %dma_start3A_122 = arith.constant 0 : i32
        %dma_start3A_123 = arith.constant 0 : i32
        %dma_start3A_124 = tpu.memref_slice %arg9[%dma_start3A_122, %dma_start3A_123] : memref<64x128xf32, #tpu.memory_space<vmem>> -> memref<64x128xf32, #tpu.memory_space<vmem>>
        tpu.enqueue_dma source(%dma_start3A_124 : memref<64x128xf32, #tpu.memory_space<vmem>>) target(%dma_start3A_121 : memref<64x128xf32, #tpu.memory_space<vmem_shared>>) target_semaphore(%run_scoped3A : memref<!tpu.dma_semaphore, #tpu.memory_space<semaphore_mem>>)
        %dma_wait3A_125 = arith.constant 0 : i32
        %dma_wait3A_126 = arith.constant 0 : i32
        %dma_wait3A_127 = tpu.memref_slice %arg9[%dma_wait3A_125, %dma_wait3A_126] : memref<64x128xf32, #tpu.memory_space<vmem>> -> memref<64x128xf32, #tpu.memory_space<vmem>>
        %dma_wait3A_128 = arith.constant 0 : i32
        %dma_wait3A_129 = tpu.memref_slice %arg6[%add3A_114, %dma_wait3A_128] : memref<10240x128xf32, #tpu.memory_space<vmem_shared>> -> memref<64x128xf32, #tpu.memory_space<vmem_shared>>
        %dma_wait3A_130 = arith.constant 0 : i32
        %dma_wait3A_131 = tpu.memref_slice %arg6[%add3A_114, %dma_wait3A_130] : memref<10240x128xf32, #tpu.memory_space<vmem_shared>> -> memref<64x128xf32, #tpu.memory_space<vmem_shared>>
        %dma_wait3A_132 = arith.constant 0 : i32
        %dma_wait3A_133 = arith.constant 0 : i32
        %dma_wait3A_134 = tpu.memref_slice %arg9[%dma_wait3A_132, %dma_wait3A_133] : memref<64x128xf32, #tpu.memory_space<vmem>> -> memref<64x128xf32, #tpu.memory_space<vmem>>
        tpu.wait_dma2 semaphore(%run_scoped3A : memref<!tpu.dma_semaphore, #tpu.memory_space<semaphore_mem>>) src(%dma_wait3A_134 : memref<64x128xf32, #tpu.memory_space<vmem>>) dst(%dma_wait3A_131 : memref<64x128xf32, #tpu.memory_space<vmem_shared>>)
        tpu.yield
      }) : () -> ()
    }
    %scan3A_37 = arith.constant 10 : i32
    %multiple_of3A_38 = arith.constant 0 : i32
    %multiple_of3A_39 = tpu.assume_multiple %multiple_of3A_38, 8 : i32
    %add3A_40 = arith.constant 0 : i32
    %add3A_41 = arith.addi %mul3A_2, %add3A_40 : i32
    %mul3A_42 = arith.constant 8 : i32
    %mul3A_43 = arith.muli %add3A_41, %mul3A_42 : i32
    %multiple_of3A_44 = tpu.assume_multiple %mul3A_43, 8 : i32
    %dma_wait3A = arith.constant 0 : i32
    %dma_wait3A_45 = tpu.memref_slice %arg7[%multiple_of3A_39, %dma_wait3A] : memref<16x64xi32, #tpu.memory_space<vmem>> -> memref<8x64xi32, #tpu.memory_space<vmem>>
    %dma_wait3A_46 = arith.constant 0 : i32
    %dma_wait3A_47 = tpu.memref_slice %arg3[%multiple_of3A_44, %dma_wait3A_46] : memref<5120x64xi32, #tpu.memory_space<hbm>> -> memref<8x64xi32, #tpu.memory_space<hbm>>
    %dma_wait3A_48 = arith.constant 0 : i32
    %dma_wait3A_49 = tpu.memref_slice %arg7[%multiple_of3A_39, %dma_wait3A_48] : memref<16x64xi32, #tpu.memory_space<vmem>> -> memref<8x64xi32, #tpu.memory_space<vmem>>
    %dma_wait3A_50 = arith.constant 0 : i32
    %dma_wait3A_51 = tpu.memref_slice %arg3[%multiple_of3A_44, %dma_wait3A_50] : memref<5120x64xi32, #tpu.memory_space<hbm>> -> memref<8x64xi32, #tpu.memory_space<hbm>>
    tpu.wait_dma2 semaphore(%arg13 : memref<!tpu.dma_semaphore, #tpu.memory_space<semaphore_mem>>) src(%dma_wait3A_51 : memref<8x64xi32, #tpu.memory_space<hbm>>) dst(%dma_wait3A_49 : memref<8x64xi32, #tpu.memory_space<vmem>>)
    %dma_wait3A_52 = arith.constant 0 : i32
    %dma_wait3A_53 = tpu.memref_slice %arg8[%multiple_of3A_39, %dma_wait3A_52] : memref<16x64xi32, #tpu.memory_space<vmem>> -> memref<8x64xi32, #tpu.memory_space<vmem>>
    %dma_wait3A_54 = arith.constant 0 : i32
    %dma_wait3A_55 = tpu.memref_slice %arg4[%multiple_of3A_44, %dma_wait3A_54] : memref<5120x64xi32, #tpu.memory_space<hbm>> -> memref<8x64xi32, #tpu.memory_space<hbm>>
    %dma_wait3A_56 = arith.constant 0 : i32
    %dma_wait3A_57 = tpu.memref_slice %arg8[%multiple_of3A_39, %dma_wait3A_56] : memref<16x64xi32, #tpu.memory_space<vmem>> -> memref<8x64xi32, #tpu.memory_space<vmem>>
    %dma_wait3A_58 = arith.constant 0 : i32
    %dma_wait3A_59 = tpu.memref_slice %arg4[%multiple_of3A_44, %dma_wait3A_58] : memref<5120x64xi32, #tpu.memory_space<hbm>> -> memref<8x64xi32, #tpu.memory_space<hbm>>
    tpu.wait_dma2 semaphore(%arg13 : memref<!tpu.dma_semaphore, #tpu.memory_space<semaphore_mem>>) src(%dma_wait3A_59 : memref<8x64xi32, #tpu.memory_space<hbm>>) dst(%dma_wait3A_57 : memref<8x64xi32, #tpu.memory_space<vmem>>)
    %dma_start3A_60 = arith.constant 0 : i32
    %dma_start3A_61 = arith.constant 0 : i32
    %dma_start3A_62 = tpu.memref_slice %arg7[%dma_start3A_60, %dma_start3A_61] : memref<16x64xi32, #tpu.memory_space<vmem>> -> memref<1x64xi32, #tpu.memory_space<vmem>>
    %dma_start3A_63 = tpu.memref_squeeze %dma_start3A_62 : memref<1x64xi32, #tpu.memory_space<vmem>> -> memref<64xi32, #tpu.memory_space<vmem>>
    %dma_start3A_64 = arith.constant 0 : i32
    %dma_start3A_65 = arith.constant 0 : i32
    %dma_start3A_66 = tpu.memref_slice %arg2[%dma_start3A_64, %dma_start3A_65] : memref<10000x128xf32, #tpu.memory_space<hbm>> -> memref<10000x128xf32, #tpu.memory_space<hbm>>
    tpu.enqueue_indirect_dma source(%dma_start3A_66 : memref<10000x128xf32, #tpu.memory_space<hbm>>) target(%arg9 : memref<64x128xf32, #tpu.memory_space<vmem>>) offsets(%dma_start3A_63 : memref<64xi32, #tpu.memory_space<vmem>>) semaphore(%arg14 : memref<!tpu.dma_semaphore, #tpu.memory_space<semaphore_mem>>)
    %dma_start3A_67 = arith.constant 1 : i32
    %dma_start3A_68 = arith.constant 0 : i32
    %dma_start3A_69 = tpu.memref_slice %arg7[%dma_start3A_67, %dma_start3A_68] : memref<16x64xi32, #tpu.memory_space<vmem>> -> memref<1x64xi32, #tpu.memory_space<vmem>>
    %dma_start3A_70 = tpu.memref_squeeze %dma_start3A_69 : memref<1x64xi32, #tpu.memory_space<vmem>> -> memref<64xi32, #tpu.memory_space<vmem>>
    %dma_start3A_71 = arith.constant 0 : i32
    %dma_start3A_72 = arith.constant 0 : i32
    %dma_start3A_73 = tpu.memref_slice %arg2[%dma_start3A_71, %dma_start3A_72] : memref<10000x128xf32, #tpu.memory_space<hbm>> -> memref<10000x128xf32, #tpu.memory_space<hbm>>
    tpu.enqueue_indirect_dma source(%dma_start3A_73 : memref<10000x128xf32, #tpu.memory_space<hbm>>) target(%arg10 : memref<64x128xf32, #tpu.memory_space<vmem>>) offsets(%dma_start3A_70 : memref<64xi32, #tpu.memory_space<vmem>>) semaphore(%arg15 : memref<!tpu.dma_semaphore, #tpu.memory_space<semaphore_mem>>)
    %dma_start3A_74 = arith.constant 2 : i32
    %dma_start3A_75 = arith.constant 0 : i32
    %dma_start3A_76 = tpu.memref_slice %arg7[%dma_start3A_74, %dma_start3A_75] : memref<16x64xi32, #tpu.memory_space<vmem>> -> memref<1x64xi32, #tpu.memory_space<vmem>>
    %dma_start3A_77 = tpu.memref_squeeze %dma_start3A_76 : memref<1x64xi32, #tpu.memory_space<vmem>> -> memref<64xi32, #tpu.memory_space<vmem>>
    %dma_start3A_78 = arith.constant 0 : i32
    %dma_start3A_79 = arith.constant 0 : i32
    %dma_start3A_80 = tpu.memref_slice %arg2[%dma_start3A_78, %dma_start3A_79] : memref<10000x128xf32, #tpu.memory_space<hbm>> -> memref<10000x128xf32, #tpu.memory_space<hbm>>
    tpu.enqueue_indirect_dma source(%dma_start3A_80 : memref<10000x128xf32, #tpu.memory_space<hbm>>) target(%arg11 : memref<64x128xf32, #tpu.memory_space<vmem>>) offsets(%dma_start3A_77 : memref<64xi32, #tpu.memory_space<vmem>>) semaphore(%arg16 : memref<!tpu.dma_semaphore, #tpu.memory_space<semaphore_mem>>)
    %multiple_of3A_81 = arith.constant 8 : i32
    %multiple_of3A_82 = tpu.assume_multiple %multiple_of3A_81, 8 : i32
    %add3A_83 = arith.constant 1 : i32
    %add3A_84 = arith.addi %mul3A_2, %add3A_83 : i32
    %mul3A_85 = arith.constant 8 : i32
    %mul3A_86 = arith.muli %add3A_84, %mul3A_85 : i32
    %multiple_of3A_87 = tpu.assume_multiple %mul3A_86, 8 : i32
    %dma_start3A_88 = arith.constant 0 : i32
    %dma_start3A_89 = tpu.memref_slice %arg7[%multiple_of3A_82, %dma_start3A_88] : memref<16x64xi32, #tpu.memory_space<vmem>> -> memref<8x64xi32, #tpu.memory_space<vmem>>
    %dma_start3A_90 = arith.constant 0 : i32
    %dma_start3A_91 = tpu.memref_slice %arg3[%multiple_of3A_87, %dma_start3A_90] : memref<5120x64xi32, #tpu.memory_space<hbm>> -> memref<8x64xi32, #tpu.memory_space<hbm>>
    %dma_start3A_92 = arith.constant 0 : i32
    %dma_start3A_93 = tpu.memref_slice %arg7[%multiple_of3A_82, %dma_start3A_92] : memref<16x64xi32, #tpu.memory_space<vmem>> -> memref<8x64xi32, #tpu.memory_space<vmem>>
    %dma_start3A_94 = arith.constant 0 : i32
    %dma_start3A_95 = tpu.memref_slice %arg3[%multiple_of3A_87, %dma_start3A_94] : memref<5120x64xi32, #tpu.memory_space<hbm>> -> memref<8x64xi32, #tpu.memory_space<hbm>>
    tpu.enqueue_dma source(%dma_start3A_95 : memref<8x64xi32, #tpu.memory_space<hbm>>) target(%dma_start3A_93 : memref<8x64xi32, #tpu.memory_space<vmem>>) target_semaphore(%arg13 : memref<!tpu.dma_semaphore, #tpu.memory_space<semaphore_mem>>)
    %dma_start3A_96 = arith.constant 0 : i32
    %dma_start3A_97 = tpu.memref_slice %arg8[%multiple_of3A_82, %dma_start3A_96] : memref<16x64xi32, #tpu.memory_space<vmem>> -> memref<8x64xi32, #tpu.memory_space<vmem>>
    %dma_start3A_98 = arith.constant 0 : i32
    %dma_start3A_99 = tpu.memref_slice %arg4[%multiple_of3A_87, %dma_start3A_98] : memref<5120x64xi32, #tpu.memory_space<hbm>> -> memref<8x64xi32, #tpu.memory_space<hbm>>
    %dma_start3A_100 = arith.constant 0 : i32
    %dma_start3A_101 = tpu.memref_slice %arg8[%multiple_of3A_82, %dma_start3A_100] : memref<16x64xi32, #tpu.memory_space<vmem>> -> memref<8x64xi32, #tpu.memory_space<vmem>>
    %dma_start3A_102 = arith.constant 0 : i32
    %dma_start3A_103 = tpu.memref_slice %arg4[%multiple_of3A_87, %dma_start3A_102] : memref<5120x64xi32, #tpu.memory_space<hbm>> -> memref<8x64xi32, #tpu.memory_space<hbm>>
    tpu.enqueue_dma source(%dma_start3A_103 : memref<8x64xi32, #tpu.memory_space<hbm>>) target(%dma_start3A_101 : memref<8x64xi32, #tpu.memory_space<vmem>>) target_semaphore(%arg13 : memref<!tpu.dma_semaphore, #tpu.memory_space<semaphore_mem>>)
    %barrier3A = arith.constant 0 : index
    tpu.barrier barrier_id(%barrier3A)
    %scan3A_104 = arith.constant 0 : i32
    %scan3A_105 = arith.constant 0 : i32
    %scan3A_106 = arith.constant 40 : i32
    %scan3A_107 = arith.addi %scan3A_105, %scan3A_106 : i32
    %scan3A_108 = arith.constant 1 : i32
    scf.for %scan3A_111 = %scan3A_105 to %scan3A_107 step %scan3A_108  : i32 {
      %mul3A_112 = arith.constant 4 : i32
      %mul3A_113 = arith.muli %scan3A_111, %mul3A_112 : i32
      %add3A_114 = arith.constant 0 : i32
      %add3A_115 = arith.addi %mul3A_113, %add3A_114 : i32
      %jit3A = arith.constant 8 : i32
      %div3A = arith.divsi %add3A_115, %jit3A : i32
      %sign3A = arith.constant 0 : i32
      %sign3A_116 = arith.cmpi sgt, %add3A_115, %sign3A : i32
      %sign3A_117 = arith.extui %sign3A_116 : i1 to i32
      %sign3A_118 = arith.constant 0 : i32
      %sign3A_119 = arith.cmpi slt, %add3A_115, %sign3A_118 : i32
      %sign3A_120 = arith.extui %sign3A_119 : i1 to i32
      %sign3A_121 = arith.subi %sign3A_117, %sign3A_120 : i32
      %sign3A_122 = arith.constant 0 : i32
      %sign3A_123 = arith.cmpi sgt, %jit3A, %sign3A_122 : i32
      %sign3A_124 = arith.extui %sign3A_123 : i1 to i32
      %sign3A_125 = arith.constant 0 : i32
      %sign3A_126 = arith.cmpi slt, %jit3A, %sign3A_125 : i32
      %sign3A_127 = arith.extui %sign3A_126 : i1 to i32
      %sign3A_128 = arith.subi %sign3A_124, %sign3A_127 : i32
      %ne3A = arith.cmpi ne, %sign3A_121, %sign3A_128 : i32
      %rem3A = arith.remsi %add3A_115, %jit3A : i32
      %ne3A_129 = arith.constant 0 : i32
      %ne3A_130 = arith.cmpi ne, %rem3A, %ne3A_129 : i32
      %and3A = arith.andi %ne3A, %ne3A_130 : i1
      %sub3A = arith.constant 1 : i32
      %sub3A_131 = arith.subi %div3A, %sub3A : i32
      %select_n3A = arith.select %and3A, %sub3A_131, %div3A : i32
      %jit3A_132 = arith.constant 8 : i32
      %eq3A = arith.constant 0 : i32
      %eq3A_133 = arith.cmpi eq, %jit3A_132, %eq3A : i32
      %jit3A_134 = arith.constant 1 : i32
      %select_n3A_135 = arith.select %eq3A_133, %jit3A_134, %jit3A_132 : i32
      %rem3A_136 = arith.remsi %add3A_115, %select_n3A_135 : i32
      %ne3A_137 = arith.constant 0 : i32
      %ne3A_138 = arith.cmpi ne, %rem3A_136, %ne3A_137 : i32
      %lt3A = arith.constant 0 : i32
      %lt3A_139 = arith.cmpi slt, %rem3A_136, %lt3A : i32
      %lt3A_140 = arith.constant 0 : i32
      %lt3A_141 = arith.cmpi slt, %select_n3A_135, %lt3A_140 : i32
      %ne3A_142 = arith.xori %lt3A_139, %lt3A_141 : i1
      %and3A_143 = arith.andi %ne3A_142, %ne3A_138 : i1
      %add3A_144 = arith.addi %rem3A_136, %select_n3A_135 : i32
      %select_n3A_145 = arith.select %and3A_143, %add3A_144, %rem3A_136 : i32
      %eq3A_146 = arith.constant 4 : i32
      %eq3A_147 = arith.cmpi eq, %select_n3A_145, %eq3A_146 : i32
      %add3A_148 = arith.constant 1 : i32
      %add3A_149 = arith.addi %select_n3A, %add3A_148 : i32
      %lt3A_150 = arith.constant 20 : i32
      %lt3A_151 = arith.cmpi slt, %add3A_149, %lt3A_150 : i32
      %and3A_152 = arith.andi %eq3A_147, %lt3A_151 : i1
      %convert_element_type3A = arith.extui %and3A_152 : i1 to i32
      %cond3A = arith.constant 0 : i32
      %cond3A_153 = arith.cmpi ne, %convert_element_type3A, %cond3A : i32
      scf.if %cond3A_153 {
        %add3A_536 = arith.constant 1 : i32
        %add3A_537 = arith.addi %select_n3A, %add3A_536 : i32
        %jit3A_538 = arith.constant 2 : i32
        %eq3A_539 = arith.constant 0 : i32
        %eq3A_540 = arith.cmpi eq, %jit3A_538, %eq3A_539 : i32
        %jit3A_541 = arith.constant 1 : i32
        %select_n3A_542 = arith.select %eq3A_540, %jit3A_541, %jit3A_538 : i32
        %rem3A_543 = arith.remsi %add3A_537, %select_n3A_542 : i32
        %ne3A_544 = arith.constant 0 : i32
        %ne3A_545 = arith.cmpi ne, %rem3A_543, %ne3A_544 : i32
        %lt3A_546 = arith.constant 0 : i32
        %lt3A_547 = arith.cmpi slt, %rem3A_543, %lt3A_546 : i32
        %lt3A_548 = arith.constant 0 : i32
        %lt3A_549 = arith.cmpi slt, %select_n3A_542, %lt3A_548 : i32
        %ne3A_550 = arith.xori %lt3A_547, %lt3A_549 : i1
        %and3A_551 = arith.andi %ne3A_550, %ne3A_545 : i1
        %add3A_552 = arith.addi %rem3A_543, %select_n3A_542 : i32
        %select_n3A_553 = arith.select %and3A_551, %add3A_552, %rem3A_543 : i32
        %mul3A_554 = arith.constant 8 : i32
        %mul3A_555 = arith.muli %select_n3A_553, %mul3A_554 : i32
        %multiple_of3A_556 = tpu.assume_multiple %mul3A_555, 8 : i32
        %add3A_557 = arith.addi %mul3A_2, %add3A_537 : i32
        %mul3A_558 = arith.constant 8 : i32
        %mul3A_559 = arith.muli %add3A_557, %mul3A_558 : i32
        %multiple_of3A_560 = tpu.assume_multiple %mul3A_559, 8 : i32
        %dma_wait3A_561 = arith.constant 0 : i32
        %dma_wait3A_562 = tpu.memref_slice %arg7[%multiple_of3A_556, %dma_wait3A_561] : memref<16x64xi32, #tpu.memory_space<vmem>> -> memref<8x64xi32, #tpu.memory_space<vmem>>
        %dma_wait3A_563 = arith.constant 0 : i32
        %dma_wait3A_564 = tpu.memref_slice %arg3[%multiple_of3A_560, %dma_wait3A_563] : memref<5120x64xi32, #tpu.memory_space<hbm>> -> memref<8x64xi32, #tpu.memory_space<hbm>>
        %dma_wait3A_565 = arith.constant 0 : i32
        %dma_wait3A_566 = tpu.memref_slice %arg7[%multiple_of3A_556, %dma_wait3A_565] : memref<16x64xi32, #tpu.memory_space<vmem>> -> memref<8x64xi32, #tpu.memory_space<vmem>>
        %dma_wait3A_567 = arith.constant 0 : i32
        %dma_wait3A_568 = tpu.memref_slice %arg3[%multiple_of3A_560, %dma_wait3A_567] : memref<5120x64xi32, #tpu.memory_space<hbm>> -> memref<8x64xi32, #tpu.memory_space<hbm>>
        tpu.wait_dma2 semaphore(%arg13 : memref<!tpu.dma_semaphore, #tpu.memory_space<semaphore_mem>>) src(%dma_wait3A_568 : memref<8x64xi32, #tpu.memory_space<hbm>>) dst(%dma_wait3A_566 : memref<8x64xi32, #tpu.memory_space<vmem>>)
        %dma_wait3A_569 = arith.constant 0 : i32
        %dma_wait3A_570 = tpu.memref_slice %arg8[%multiple_of3A_556, %dma_wait3A_569] : memref<16x64xi32, #tpu.memory_space<vmem>> -> memref<8x64xi32, #tpu.memory_space<vmem>>
        %dma_wait3A_571 = arith.constant 0 : i32
        %dma_wait3A_572 = tpu.memref_slice %arg4[%multiple_of3A_560, %dma_wait3A_571] : memref<5120x64xi32, #tpu.memory_space<hbm>> -> memref<8x64xi32, #tpu.memory_space<hbm>>
        %dma_wait3A_573 = arith.constant 0 : i32
        %dma_wait3A_574 = tpu.memref_slice %arg8[%multiple_of3A_556, %dma_wait3A_573] : memref<16x64xi32, #tpu.memory_space<vmem>> -> memref<8x64xi32, #tpu.memory_space<vmem>>
        %dma_wait3A_575 = arith.constant 0 : i32
        %dma_wait3A_576 = tpu.memref_slice %arg4[%multiple_of3A_560, %dma_wait3A_575] : memref<5120x64xi32, #tpu.memory_space<hbm>> -> memref<8x64xi32, #tpu.memory_space<hbm>>
        tpu.wait_dma2 semaphore(%arg13 : memref<!tpu.dma_semaphore, #tpu.memory_space<semaphore_mem>>) src(%dma_wait3A_576 : memref<8x64xi32, #tpu.memory_space<hbm>>) dst(%dma_wait3A_574 : memref<8x64xi32, #tpu.memory_space<vmem>>)
      } else {
      }
      %add3A_154 = arith.constant 3 : i32
      %add3A_155 = arith.addi %add3A_115, %add3A_154 : i32
      %lt3A_156 = arith.constant 160 : i32
      %lt3A_157 = arith.cmpi slt, %add3A_155, %lt3A_156 : i32
      %convert_element_type3A_158 = arith.extui %lt3A_157 : i1 to i32
      %cond3A_159 = arith.constant 0 : i32
      %cond3A_160 = arith.cmpi ne, %convert_element_type3A_158, %cond3A_159 : i32
      scf.if %cond3A_160 {
        %add3A_536 = arith.constant 3 : i32
        %add3A_537 = arith.addi %add3A_115, %add3A_536 : i32
        %jit3A_538 = arith.constant 16 : i32
        %eq3A_539 = arith.constant 0 : i32
        %eq3A_540 = arith.cmpi eq, %jit3A_538, %eq3A_539 : i32
        %jit3A_541 = arith.constant 1 : i32
        %select_n3A_542 = arith.select %eq3A_540, %jit3A_541, %jit3A_538 : i32
        %rem3A_543 = arith.remsi %add3A_537, %select_n3A_542 : i32
        %ne3A_544 = arith.constant 0 : i32
        %ne3A_545 = arith.cmpi ne, %rem3A_543, %ne3A_544 : i32
        %lt3A_546 = arith.constant 0 : i32
        %lt3A_547 = arith.cmpi slt, %rem3A_543, %lt3A_546 : i32
        %lt3A_548 = arith.constant 0 : i32
        %lt3A_549 = arith.cmpi slt, %select_n3A_542, %lt3A_548 : i32
        %ne3A_550 = arith.xori %lt3A_547, %lt3A_549 : i1
        %and3A_551 = arith.andi %ne3A_550, %ne3A_545 : i1
        %add3A_552 = arith.addi %rem3A_543, %select_n3A_542 : i32
        %select_n3A_553 = arith.select %and3A_551, %add3A_552, %rem3A_543 : i32
        %dma_start3A_554 = arith.constant 0 : i32
        %dma_start3A_555 = tpu.memref_slice %arg7[%select_n3A_553, %dma_start3A_554] : memref<16x64xi32, #tpu.memory_space<vmem>> -> memref<1x64xi32, #tpu.memory_space<vmem>>
        %dma_start3A_556 = tpu.memref_squeeze %dma_start3A_555 : memref<1x64xi32, #tpu.memory_space<vmem>> -> memref<64xi32, #tpu.memory_space<vmem>>
        %dma_start3A_557 = arith.constant 0 : i32
        %dma_start3A_558 = arith.constant 0 : i32
        %dma_start3A_559 = tpu.memref_slice %arg2[%dma_start3A_557, %dma_start3A_558] : memref<10000x128xf32, #tpu.memory_space<hbm>> -> memref<10000x128xf32, #tpu.memory_space<hbm>>
        tpu.enqueue_indirect_dma source(%dma_start3A_559 : memref<10000x128xf32, #tpu.memory_space<hbm>>) target(%arg12 : memref<64x128xf32, #tpu.memory_space<vmem>>) offsets(%dma_start3A_556 : memref<64xi32, #tpu.memory_space<vmem>>) semaphore(%arg17 : memref<!tpu.dma_semaphore, #tpu.memory_space<semaphore_mem>>)
      } else {
      }
      %jit3A_161 = arith.constant 16 : i32
      %eq3A_162 = arith.constant 0 : i32
      %eq3A_163 = arith.cmpi eq, %jit3A_161, %eq3A_162 : i32
      %jit3A_164 = arith.constant 1 : i32
      %select_n3A_165 = arith.select %eq3A_163, %jit3A_164, %jit3A_161 : i32
      %rem3A_166 = arith.remsi %add3A_115, %select_n3A_165 : i32
      %ne3A_167 = arith.constant 0 : i32
      %ne3A_168 = arith.cmpi ne, %rem3A_166, %ne3A_167 : i32
      %lt3A_169 = arith.constant 0 : i32
      %lt3A_170 = arith.cmpi slt, %rem3A_166, %lt3A_169 : i32
      %lt3A_171 = arith.constant 0 : i32
      %lt3A_172 = arith.cmpi slt, %select_n3A_165, %lt3A_171 : i32
      %ne3A_173 = arith.xori %lt3A_170, %lt3A_172 : i1
      %and3A_174 = arith.andi %ne3A_173, %ne3A_168 : i1
      %add3A_175 = arith.addi %rem3A_166, %select_n3A_165 : i32
      %select_n3A_176 = arith.select %and3A_174, %add3A_175, %rem3A_166 : i32
      %dma_wait3A_177 = arith.constant 0 : i32
      %dma_wait3A_178 = tpu.memref_slice %arg7[%select_n3A_176, %dma_wait3A_177] : memref<16x64xi32, #tpu.memory_space<vmem>> -> memref<1x64xi32, #tpu.memory_space<vmem>>
      %dma_wait3A_179 = tpu.memref_squeeze %dma_wait3A_178 : memref<1x64xi32, #tpu.memory_space<vmem>> -> memref<64xi32, #tpu.memory_space<vmem>>
      %dma_wait3A_180 = arith.constant 0 : i32
      %dma_wait3A_181 = arith.constant 0 : i32
      %dma_wait3A_182 = tpu.memref_slice %arg2[%dma_wait3A_180, %dma_wait3A_181] : memref<10000x128xf32, #tpu.memory_space<hbm>> -> memref<10000x128xf32, #tpu.memory_space<hbm>>
      tpu.wait_indirect_dma semaphore(%arg14 : memref<!tpu.dma_semaphore, #tpu.memory_space<semaphore_mem>>) src(%dma_wait3A_182 : memref<10000x128xf32, #tpu.memory_space<hbm>>) dst(%arg9 : memref<64x128xf32, #tpu.memory_space<vmem>>)
      %jit3A_183 = arith.constant 16 : i32
      %eq3A_184 = arith.constant 0 : i32
      %eq3A_185 = arith.cmpi eq, %jit3A_183, %eq3A_184 : i32
      %jit3A_186 = arith.constant 1 : i32
      %select_n3A_187 = arith.select %eq3A_185, %jit3A_186, %jit3A_183 : i32
      %rem3A_188 = arith.remsi %add3A_115, %select_n3A_187 : i32
      %ne3A_189 = arith.constant 0 : i32
      %ne3A_190 = arith.cmpi ne, %rem3A_188, %ne3A_189 : i32
      %lt3A_191 = arith.constant 0 : i32
      %lt3A_192 = arith.cmpi slt, %rem3A_188, %lt3A_191 : i32
      %lt3A_193 = arith.constant 0 : i32
      %lt3A_194 = arith.cmpi slt, %select_n3A_187, %lt3A_193 : i32
      %ne3A_195 = arith.xori %lt3A_192, %lt3A_194 : i1
      %and3A_196 = arith.andi %ne3A_195, %ne3A_190 : i1
      %add3A_197 = arith.addi %rem3A_188, %select_n3A_187 : i32
      %select_n3A_198 = arith.select %and3A_196, %add3A_197, %rem3A_188 : i32
      "tpu.region"() ({
        %run_scoped3A = tpu.sem_alloc : memref<!tpu.dma_semaphore, #tpu.memory_space<semaphore_mem>>
        %dma_start3A_536 = arith.constant 0 : i32
        %dma_start3A_537 = tpu.memref_slice %arg8[%select_n3A_198, %dma_start3A_536] : memref<16x64xi32, #tpu.memory_space<vmem>> -> memref<1x64xi32, #tpu.memory_space<vmem>>
        %dma_start3A_538 = tpu.memref_squeeze %dma_start3A_537 : memref<1x64xi32, #tpu.memory_space<vmem>> -> memref<64xi32, #tpu.memory_space<vmem>>
        %dma_start3A_539 = arith.constant 0 : i32
        %dma_start3A_540 = arith.constant 0 : i32
        %dma_start3A_541 = tpu.memref_slice %arg6[%dma_start3A_539, %dma_start3A_540] : memref<10240x128xf32, #tpu.memory_space<vmem_shared>> -> memref<10240x128xf32, #tpu.memory_space<vmem_shared>>
        tpu.enqueue_indirect_dma source(%arg9 : memref<64x128xf32, #tpu.memory_space<vmem>>) target(%dma_start3A_541 : memref<10240x128xf32, #tpu.memory_space<vmem_shared>>) offsets(%dma_start3A_538 : memref<64xi32, #tpu.memory_space<vmem>>) semaphore(%run_scoped3A : memref<!tpu.dma_semaphore, #tpu.memory_space<semaphore_mem>>) {add = true}
        %dma_wait3A_542 = arith.constant 0 : i32
        %dma_wait3A_543 = tpu.memref_slice %arg8[%select_n3A_198, %dma_wait3A_542] : memref<16x64xi32, #tpu.memory_space<vmem>> -> memref<1x64xi32, #tpu.memory_space<vmem>>
        %dma_wait3A_544 = tpu.memref_squeeze %dma_wait3A_543 : memref<1x64xi32, #tpu.memory_space<vmem>> -> memref<64xi32, #tpu.memory_space<vmem>>
        %dma_wait3A_545 = arith.constant 0 : i32
        %dma_wait3A_546 = arith.constant 0 : i32
        %dma_wait3A_547 = tpu.memref_slice %arg6[%dma_wait3A_545, %dma_wait3A_546] : memref<10240x128xf32, #tpu.memory_space<vmem_shared>> -> memref<10240x128xf32, #tpu.memory_space<vmem_shared>>
        tpu.wait_indirect_dma semaphore(%run_scoped3A : memref<!tpu.dma_semaphore, #tpu.memory_space<semaphore_mem>>) src(%arg9 : memref<64x128xf32, #tpu.memory_space<vmem>>) dst(%dma_wait3A_547 : memref<10240x128xf32, #tpu.memory_space<vmem_shared>>)
        tpu.yield
      }) : () -> ()
      %eq3A_199 = arith.constant 7 : i32
      %eq3A_200 = arith.cmpi eq, %select_n3A_145, %eq3A_199 : i32
      %add3A_201 = arith.constant 2 : i32
      %add3A_202 = arith.addi %select_n3A, %add3A_201 : i32
      %lt3A_203 = arith.constant 20 : i32
      %lt3A_204 = arith.cmpi slt, %add3A_202, %lt3A_203 : i32
      %and3A_205 = arith.andi %eq3A_200, %lt3A_204 : i1
      %convert_element_type3A_206 = arith.extui %and3A_205 : i1 to i32
      %cond3A_207 = arith.constant 0 : i32
      %cond3A_208 = arith.cmpi ne, %convert_element_type3A_206, %cond3A_207 : i32
      scf.if %cond3A_208 {
        %add3A_536 = arith.constant 2 : i32
        %add3A_537 = arith.addi %select_n3A, %add3A_536 : i32
        %jit3A_538 = arith.constant 2 : i32
        %eq3A_539 = arith.constant 0 : i32
        %eq3A_540 = arith.cmpi eq, %jit3A_538, %eq3A_539 : i32
        %jit3A_541 = arith.constant 1 : i32
        %select_n3A_542 = arith.select %eq3A_540, %jit3A_541, %jit3A_538 : i32
        %rem3A_543 = arith.remsi %add3A_537, %select_n3A_542 : i32
        %ne3A_544 = arith.constant 0 : i32
        %ne3A_545 = arith.cmpi ne, %rem3A_543, %ne3A_544 : i32
        %lt3A_546 = arith.constant 0 : i32
        %lt3A_547 = arith.cmpi slt, %rem3A_543, %lt3A_546 : i32
        %lt3A_548 = arith.constant 0 : i32
        %lt3A_549 = arith.cmpi slt, %select_n3A_542, %lt3A_548 : i32
        %ne3A_550 = arith.xori %lt3A_547, %lt3A_549 : i1
        %and3A_551 = arith.andi %ne3A_550, %ne3A_545 : i1
        %add3A_552 = arith.addi %rem3A_543, %select_n3A_542 : i32
        %select_n3A_553 = arith.select %and3A_551, %add3A_552, %rem3A_543 : i32
        %mul3A_554 = arith.constant 8 : i32
        %mul3A_555 = arith.muli %select_n3A_553, %mul3A_554 : i32
        %multiple_of3A_556 = tpu.assume_multiple %mul3A_555, 8 : i32
        %add3A_557 = arith.addi %mul3A_2, %add3A_537 : i32
        %mul3A_558 = arith.constant 8 : i32
        %mul3A_559 = arith.muli %add3A_557, %mul3A_558 : i32
        %multiple_of3A_560 = tpu.assume_multiple %mul3A_559, 8 : i32
        %dma_start3A_561 = arith.constant 0 : i32
        %dma_start3A_562 = tpu.memref_slice %arg7[%multiple_of3A_556, %dma_start3A_561] : memref<16x64xi32, #tpu.memory_space<vmem>> -> memref<8x64xi32, #tpu.memory_space<vmem>>
        %dma_start3A_563 = arith.constant 0 : i32
        %dma_start3A_564 = tpu.memref_slice %arg3[%multiple_of3A_560, %dma_start3A_563] : memref<5120x64xi32, #tpu.memory_space<hbm>> -> memref<8x64xi32, #tpu.memory_space<hbm>>
        %dma_start3A_565 = arith.constant 0 : i32
        %dma_start3A_566 = tpu.memref_slice %arg7[%multiple_of3A_556, %dma_start3A_565] : memref<16x64xi32, #tpu.memory_space<vmem>> -> memref<8x64xi32, #tpu.memory_space<vmem>>
        %dma_start3A_567 = arith.constant 0 : i32
        %dma_start3A_568 = tpu.memref_slice %arg3[%multiple_of3A_560, %dma_start3A_567] : memref<5120x64xi32, #tpu.memory_space<hbm>> -> memref<8x64xi32, #tpu.memory_space<hbm>>
        tpu.enqueue_dma source(%dma_start3A_568 : memref<8x64xi32, #tpu.memory_space<hbm>>) target(%dma_start3A_566 : memref<8x64xi32, #tpu.memory_space<vmem>>) target_semaphore(%arg13 : memref<!tpu.dma_semaphore, #tpu.memory_space<semaphore_mem>>)
        %dma_start3A_569 = arith.constant 0 : i32
        %dma_start3A_570 = tpu.memref_slice %arg8[%multiple_of3A_556, %dma_start3A_569] : memref<16x64xi32, #tpu.memory_space<vmem>> -> memref<8x64xi32, #tpu.memory_space<vmem>>
        %dma_start3A_571 = arith.constant 0 : i32
        %dma_start3A_572 = tpu.memref_slice %arg4[%multiple_of3A_560, %dma_start3A_571] : memref<5120x64xi32, #tpu.memory_space<hbm>> -> memref<8x64xi32, #tpu.memory_space<hbm>>
        %dma_start3A_573 = arith.constant 0 : i32
        %dma_start3A_574 = tpu.memref_slice %arg8[%multiple_of3A_556, %dma_start3A_573] : memref<16x64xi32, #tpu.memory_space<vmem>> -> memref<8x64xi32, #tpu.memory_space<vmem>>
        %dma_start3A_575 = arith.constant 0 : i32
        %dma_start3A_576 = tpu.memref_slice %arg4[%multiple_of3A_560, %dma_start3A_575] : memref<5120x64xi32, #tpu.memory_space<hbm>> -> memref<8x64xi32, #tpu.memory_space<hbm>>
        tpu.enqueue_dma source(%dma_start3A_576 : memref<8x64xi32, #tpu.memory_space<hbm>>) target(%dma_start3A_574 : memref<8x64xi32, #tpu.memory_space<vmem>>) target_semaphore(%arg13 : memref<!tpu.dma_semaphore, #tpu.memory_space<semaphore_mem>>)
      } else {
      }
      %mul3A_209 = arith.constant 4 : i32
      %mul3A_210 = arith.muli %scan3A_111, %mul3A_209 : i32
      %add3A_211 = arith.constant 1 : i32
      %add3A_212 = arith.addi %mul3A_210, %add3A_211 : i32
      %jit3A_213 = arith.constant 8 : i32
      %div3A_214 = arith.divsi %add3A_212, %jit3A_213 : i32
      %sign3A_215 = arith.constant 0 : i32
      %sign3A_216 = arith.cmpi sgt, %add3A_212, %sign3A_215 : i32
      %sign3A_217 = arith.extui %sign3A_216 : i1 to i32
      %sign3A_218 = arith.constant 0 : i32
      %sign3A_219 = arith.cmpi slt, %add3A_212, %sign3A_218 : i32
      %sign3A_220 = arith.extui %sign3A_219 : i1 to i32
      %sign3A_221 = arith.subi %sign3A_217, %sign3A_220 : i32
      %sign3A_222 = arith.constant 0 : i32
      %sign3A_223 = arith.cmpi sgt, %jit3A_213, %sign3A_222 : i32
      %sign3A_224 = arith.extui %sign3A_223 : i1 to i32
      %sign3A_225 = arith.constant 0 : i32
      %sign3A_226 = arith.cmpi slt, %jit3A_213, %sign3A_225 : i32
      %sign3A_227 = arith.extui %sign3A_226 : i1 to i32
      %sign3A_228 = arith.subi %sign3A_224, %sign3A_227 : i32
      %ne3A_229 = arith.cmpi ne, %sign3A_221, %sign3A_228 : i32
      %rem3A_230 = arith.remsi %add3A_212, %jit3A_213 : i32
      %ne3A_231 = arith.constant 0 : i32
      %ne3A_232 = arith.cmpi ne, %rem3A_230, %ne3A_231 : i32
      %and3A_233 = arith.andi %ne3A_229, %ne3A_232 : i1
      %sub3A_234 = arith.constant 1 : i32
      %sub3A_235 = arith.subi %div3A_214, %sub3A_234 : i32
      %select_n3A_236 = arith.select %and3A_233, %sub3A_235, %div3A_214 : i32
      %jit3A_237 = arith.constant 8 : i32
      %eq3A_238 = arith.constant 0 : i32
      %eq3A_239 = arith.cmpi eq, %jit3A_237, %eq3A_238 : i32
      %jit3A_240 = arith.constant 1 : i32
      %select_n3A_241 = arith.select %eq3A_239, %jit3A_240, %jit3A_237 : i32
      %rem3A_242 = arith.remsi %add3A_212, %select_n3A_241 : i32
      %ne3A_243 = arith.constant 0 : i32
      %ne3A_244 = arith.cmpi ne, %rem3A_242, %ne3A_243 : i32
      %lt3A_245 = arith.constant 0 : i32
      %lt3A_246 = arith.cmpi slt, %rem3A_242, %lt3A_245 : i32
      %lt3A_247 = arith.constant 0 : i32
      %lt3A_248 = arith.cmpi slt, %select_n3A_241, %lt3A_247 : i32
      %ne3A_249 = arith.xori %lt3A_246, %lt3A_248 : i1
      %and3A_250 = arith.andi %ne3A_249, %ne3A_244 : i1
      %add3A_251 = arith.addi %rem3A_242, %select_n3A_241 : i32
      %select_n3A_252 = arith.select %and3A_250, %add3A_251, %rem3A_242 : i32
      %eq3A_253 = arith.constant 4 : i32
      %eq3A_254 = arith.cmpi eq, %select_n3A_252, %eq3A_253 : i32
      %add3A_255 = arith.constant 1 : i32
      %add3A_256 = arith.addi %select_n3A_236, %add3A_255 : i32
      %lt3A_257 = arith.constant 20 : i32
      %lt3A_258 = arith.cmpi slt, %add3A_256, %lt3A_257 : i32
      %and3A_259 = arith.andi %eq3A_254, %lt3A_258 : i1
      %convert_element_type3A_260 = arith.extui %and3A_259 : i1 to i32
      %cond3A_261 = arith.constant 0 : i32
      %cond3A_262 = arith.cmpi ne, %convert_element_type3A_260, %cond3A_261 : i32
      scf.if %cond3A_262 {
        %add3A_536 = arith.constant 1 : i32
        %add3A_537 = arith.addi %select_n3A_236, %add3A_536 : i32
        %jit3A_538 = arith.constant 2 : i32
        %eq3A_539 = arith.constant 0 : i32
        %eq3A_540 = arith.cmpi eq, %jit3A_538, %eq3A_539 : i32
        %jit3A_541 = arith.constant 1 : i32
        %select_n3A_542 = arith.select %eq3A_540, %jit3A_541, %jit3A_538 : i32
        %rem3A_543 = arith.remsi %add3A_537, %select_n3A_542 : i32
        %ne3A_544 = arith.constant 0 : i32
        %ne3A_545 = arith.cmpi ne, %rem3A_543, %ne3A_544 : i32
        %lt3A_546 = arith.constant 0 : i32
        %lt3A_547 = arith.cmpi slt, %rem3A_543, %lt3A_546 : i32
        %lt3A_548 = arith.constant 0 : i32
        %lt3A_549 = arith.cmpi slt, %select_n3A_542, %lt3A_548 : i32
        %ne3A_550 = arith.xori %lt3A_547, %lt3A_549 : i1
        %and3A_551 = arith.andi %ne3A_550, %ne3A_545 : i1
        %add3A_552 = arith.addi %rem3A_543, %select_n3A_542 : i32
        %select_n3A_553 = arith.select %and3A_551, %add3A_552, %rem3A_543 : i32
        %mul3A_554 = arith.constant 8 : i32
        %mul3A_555 = arith.muli %select_n3A_553, %mul3A_554 : i32
        %multiple_of3A_556 = tpu.assume_multiple %mul3A_555, 8 : i32
        %add3A_557 = arith.addi %mul3A_2, %add3A_537 : i32
        %mul3A_558 = arith.constant 8 : i32
        %mul3A_559 = arith.muli %add3A_557, %mul3A_558 : i32
        %multiple_of3A_560 = tpu.assume_multiple %mul3A_559, 8 : i32
        %dma_wait3A_561 = arith.constant 0 : i32
        %dma_wait3A_562 = tpu.memref_slice %arg7[%multiple_of3A_556, %dma_wait3A_561] : memref<16x64xi32, #tpu.memory_space<vmem>> -> memref<8x64xi32, #tpu.memory_space<vmem>>
        %dma_wait3A_563 = arith.constant 0 : i32
        %dma_wait3A_564 = tpu.memref_slice %arg3[%multiple_of3A_560, %dma_wait3A_563] : memref<5120x64xi32, #tpu.memory_space<hbm>> -> memref<8x64xi32, #tpu.memory_space<hbm>>
        %dma_wait3A_565 = arith.constant 0 : i32
        %dma_wait3A_566 = tpu.memref_slice %arg7[%multiple_of3A_556, %dma_wait3A_565] : memref<16x64xi32, #tpu.memory_space<vmem>> -> memref<8x64xi32, #tpu.memory_space<vmem>>
        %dma_wait3A_567 = arith.constant 0 : i32
        %dma_wait3A_568 = tpu.memref_slice %arg3[%multiple_of3A_560, %dma_wait3A_567] : memref<5120x64xi32, #tpu.memory_space<hbm>> -> memref<8x64xi32, #tpu.memory_space<hbm>>
        tpu.wait_dma2 semaphore(%arg13 : memref<!tpu.dma_semaphore, #tpu.memory_space<semaphore_mem>>) src(%dma_wait3A_568 : memref<8x64xi32, #tpu.memory_space<hbm>>) dst(%dma_wait3A_566 : memref<8x64xi32, #tpu.memory_space<vmem>>)
        %dma_wait3A_569 = arith.constant 0 : i32
        %dma_wait3A_570 = tpu.memref_slice %arg8[%multiple_of3A_556, %dma_wait3A_569] : memref<16x64xi32, #tpu.memory_space<vmem>> -> memref<8x64xi32, #tpu.memory_space<vmem>>
        %dma_wait3A_571 = arith.constant 0 : i32
        %dma_wait3A_572 = tpu.memref_slice %arg4[%multiple_of3A_560, %dma_wait3A_571] : memref<5120x64xi32, #tpu.memory_space<hbm>> -> memref<8x64xi32, #tpu.memory_space<hbm>>
        %dma_wait3A_573 = arith.constant 0 : i32
        %dma_wait3A_574 = tpu.memref_slice %arg8[%multiple_of3A_556, %dma_wait3A_573] : memref<16x64xi32, #tpu.memory_space<vmem>> -> memref<8x64xi32, #tpu.memory_space<vmem>>
        %dma_wait3A_575 = arith.constant 0 : i32
        %dma_wait3A_576 = tpu.memref_slice %arg4[%multiple_of3A_560, %dma_wait3A_575] : memref<5120x64xi32, #tpu.memory_space<hbm>> -> memref<8x64xi32, #tpu.memory_space<hbm>>
        tpu.wait_dma2 semaphore(%arg13 : memref<!tpu.dma_semaphore, #tpu.memory_space<semaphore_mem>>) src(%dma_wait3A_576 : memref<8x64xi32, #tpu.memory_space<hbm>>) dst(%dma_wait3A_574 : memref<8x64xi32, #tpu.memory_space<vmem>>)
      } else {
      }
      %add3A_263 = arith.constant 3 : i32
      %add3A_264 = arith.addi %add3A_212, %add3A_263 : i32
      %lt3A_265 = arith.constant 160 : i32
      %lt3A_266 = arith.cmpi slt, %add3A_264, %lt3A_265 : i32
      %convert_element_type3A_267 = arith.extui %lt3A_266 : i1 to i32
      %cond3A_268 = arith.constant 0 : i32
      %cond3A_269 = arith.cmpi ne, %convert_element_type3A_267, %cond3A_268 : i32
      scf.if %cond3A_269 {
        %add3A_536 = arith.constant 3 : i32
        %add3A_537 = arith.addi %add3A_212, %add3A_536 : i32
        %jit3A_538 = arith.constant 16 : i32
        %eq3A_539 = arith.constant 0 : i32
        %eq3A_540 = arith.cmpi eq, %jit3A_538, %eq3A_539 : i32
        %jit3A_541 = arith.constant 1 : i32
        %select_n3A_542 = arith.select %eq3A_540, %jit3A_541, %jit3A_538 : i32
        %rem3A_543 = arith.remsi %add3A_537, %select_n3A_542 : i32
        %ne3A_544 = arith.constant 0 : i32
        %ne3A_545 = arith.cmpi ne, %rem3A_543, %ne3A_544 : i32
        %lt3A_546 = arith.constant 0 : i32
        %lt3A_547 = arith.cmpi slt, %rem3A_543, %lt3A_546 : i32
        %lt3A_548 = arith.constant 0 : i32
        %lt3A_549 = arith.cmpi slt, %select_n3A_542, %lt3A_548 : i32
        %ne3A_550 = arith.xori %lt3A_547, %lt3A_549 : i1
        %and3A_551 = arith.andi %ne3A_550, %ne3A_545 : i1
        %add3A_552 = arith.addi %rem3A_543, %select_n3A_542 : i32
        %select_n3A_553 = arith.select %and3A_551, %add3A_552, %rem3A_543 : i32
        %dma_start3A_554 = arith.constant 0 : i32
        %dma_start3A_555 = tpu.memref_slice %arg7[%select_n3A_553, %dma_start3A_554] : memref<16x64xi32, #tpu.memory_space<vmem>> -> memref<1x64xi32, #tpu.memory_space<vmem>>
        %dma_start3A_556 = tpu.memref_squeeze %dma_start3A_555 : memref<1x64xi32, #tpu.memory_space<vmem>> -> memref<64xi32, #tpu.memory_space<vmem>>
        %dma_start3A_557 = arith.constant 0 : i32
        %dma_start3A_558 = arith.constant 0 : i32
        %dma_start3A_559 = tpu.memref_slice %arg2[%dma_start3A_557, %dma_start3A_558] : memref<10000x128xf32, #tpu.memory_space<hbm>> -> memref<10000x128xf32, #tpu.memory_space<hbm>>
        tpu.enqueue_indirect_dma source(%dma_start3A_559 : memref<10000x128xf32, #tpu.memory_space<hbm>>) target(%arg9 : memref<64x128xf32, #tpu.memory_space<vmem>>) offsets(%dma_start3A_556 : memref<64xi32, #tpu.memory_space<vmem>>) semaphore(%arg14 : memref<!tpu.dma_semaphore, #tpu.memory_space<semaphore_mem>>)
      } else {
      }
      %jit3A_270 = arith.constant 16 : i32
      %eq3A_271 = arith.constant 0 : i32
      %eq3A_272 = arith.cmpi eq, %jit3A_270, %eq3A_271 : i32
      %jit3A_273 = arith.constant 1 : i32
      %select_n3A_274 = arith.select %eq3A_272, %jit3A_273, %jit3A_270 : i32
      %rem3A_275 = arith.remsi %add3A_212, %select_n3A_274 : i32
      %ne3A_276 = arith.constant 0 : i32
      %ne3A_277 = arith.cmpi ne, %rem3A_275, %ne3A_276 : i32
      %lt3A_278 = arith.constant 0 : i32
      %lt3A_279 = arith.cmpi slt, %rem3A_275, %lt3A_278 : i32
      %lt3A_280 = arith.constant 0 : i32
      %lt3A_281 = arith.cmpi slt, %select_n3A_274, %lt3A_280 : i32
      %ne3A_282 = arith.xori %lt3A_279, %lt3A_281 : i1
      %and3A_283 = arith.andi %ne3A_282, %ne3A_277 : i1
      %add3A_284 = arith.addi %rem3A_275, %select_n3A_274 : i32
      %select_n3A_285 = arith.select %and3A_283, %add3A_284, %rem3A_275 : i32
      %dma_wait3A_286 = arith.constant 0 : i32
      %dma_wait3A_287 = tpu.memref_slice %arg7[%select_n3A_285, %dma_wait3A_286] : memref<16x64xi32, #tpu.memory_space<vmem>> -> memref<1x64xi32, #tpu.memory_space<vmem>>
      %dma_wait3A_288 = tpu.memref_squeeze %dma_wait3A_287 : memref<1x64xi32, #tpu.memory_space<vmem>> -> memref<64xi32, #tpu.memory_space<vmem>>
      %dma_wait3A_289 = arith.constant 0 : i32
      %dma_wait3A_290 = arith.constant 0 : i32
      %dma_wait3A_291 = tpu.memref_slice %arg2[%dma_wait3A_289, %dma_wait3A_290] : memref<10000x128xf32, #tpu.memory_space<hbm>> -> memref<10000x128xf32, #tpu.memory_space<hbm>>
      tpu.wait_indirect_dma semaphore(%arg15 : memref<!tpu.dma_semaphore, #tpu.memory_space<semaphore_mem>>) src(%dma_wait3A_291 : memref<10000x128xf32, #tpu.memory_space<hbm>>) dst(%arg10 : memref<64x128xf32, #tpu.memory_space<vmem>>)
      %jit3A_292 = arith.constant 16 : i32
      %eq3A_293 = arith.constant 0 : i32
      %eq3A_294 = arith.cmpi eq, %jit3A_292, %eq3A_293 : i32
      %jit3A_295 = arith.constant 1 : i32
      %select_n3A_296 = arith.select %eq3A_294, %jit3A_295, %jit3A_292 : i32
      %rem3A_297 = arith.remsi %add3A_212, %select_n3A_296 : i32
      %ne3A_298 = arith.constant 0 : i32
      %ne3A_299 = arith.cmpi ne, %rem3A_297, %ne3A_298 : i32
      %lt3A_300 = arith.constant 0 : i32
      %lt3A_301 = arith.cmpi slt, %rem3A_297, %lt3A_300 : i32
      %lt3A_302 = arith.constant 0 : i32
      %lt3A_303 = arith.cmpi slt, %select_n3A_296, %lt3A_302 : i32
      %ne3A_304 = arith.xori %lt3A_301, %lt3A_303 : i1
      %and3A_305 = arith.andi %ne3A_304, %ne3A_299 : i1
      %add3A_306 = arith.addi %rem3A_297, %select_n3A_296 : i32
      %select_n3A_307 = arith.select %and3A_305, %add3A_306, %rem3A_297 : i32
      "tpu.region"() ({
        %run_scoped3A = tpu.sem_alloc : memref<!tpu.dma_semaphore, #tpu.memory_space<semaphore_mem>>
        %dma_start3A_536 = arith.constant 0 : i32
        %dma_start3A_537 = tpu.memref_slice %arg8[%select_n3A_307, %dma_start3A_536] : memref<16x64xi32, #tpu.memory_space<vmem>> -> memref<1x64xi32, #tpu.memory_space<vmem>>
        %dma_start3A_538 = tpu.memref_squeeze %dma_start3A_537 : memref<1x64xi32, #tpu.memory_space<vmem>> -> memref<64xi32, #tpu.memory_space<vmem>>
        %dma_start3A_539 = arith.constant 0 : i32
        %dma_start3A_540 = arith.constant 0 : i32
        %dma_start3A_541 = tpu.memref_slice %arg6[%dma_start3A_539, %dma_start3A_540] : memref<10240x128xf32, #tpu.memory_space<vmem_shared>> -> memref<10240x128xf32, #tpu.memory_space<vmem_shared>>
        tpu.enqueue_indirect_dma source(%arg10 : memref<64x128xf32, #tpu.memory_space<vmem>>) target(%dma_start3A_541 : memref<10240x128xf32, #tpu.memory_space<vmem_shared>>) offsets(%dma_start3A_538 : memref<64xi32, #tpu.memory_space<vmem>>) semaphore(%run_scoped3A : memref<!tpu.dma_semaphore, #tpu.memory_space<semaphore_mem>>) {add = true}
        %dma_wait3A_542 = arith.constant 0 : i32
        %dma_wait3A_543 = tpu.memref_slice %arg8[%select_n3A_307, %dma_wait3A_542] : memref<16x64xi32, #tpu.memory_space<vmem>> -> memref<1x64xi32, #tpu.memory_space<vmem>>
        %dma_wait3A_544 = tpu.memref_squeeze %dma_wait3A_543 : memref<1x64xi32, #tpu.memory_space<vmem>> -> memref<64xi32, #tpu.memory_space<vmem>>
        %dma_wait3A_545 = arith.constant 0 : i32
        %dma_wait3A_546 = arith.constant 0 : i32
        %dma_wait3A_547 = tpu.memref_slice %arg6[%dma_wait3A_545, %dma_wait3A_546] : memref<10240x128xf32, #tpu.memory_space<vmem_shared>> -> memref<10240x128xf32, #tpu.memory_space<vmem_shared>>
        tpu.wait_indirect_dma semaphore(%run_scoped3A : memref<!tpu.dma_semaphore, #tpu.memory_space<semaphore_mem>>) src(%arg10 : memref<64x128xf32, #tpu.memory_space<vmem>>) dst(%dma_wait3A_547 : memref<10240x128xf32, #tpu.memory_space<vmem_shared>>)
        tpu.yield
      }) : () -> ()
      %eq3A_308 = arith.constant 7 : i32
      %eq3A_309 = arith.cmpi eq, %select_n3A_252, %eq3A_308 : i32
      %add3A_310 = arith.constant 2 : i32
      %add3A_311 = arith.addi %select_n3A_236, %add3A_310 : i32
      %lt3A_312 = arith.constant 20 : i32
      %lt3A_313 = arith.cmpi slt, %add3A_311, %lt3A_312 : i32
      %and3A_314 = arith.andi %eq3A_309, %lt3A_313 : i1
      %convert_element_type3A_315 = arith.extui %and3A_314 : i1 to i32
      %cond3A_316 = arith.constant 0 : i32
      %cond3A_317 = arith.cmpi ne, %convert_element_type3A_315, %cond3A_316 : i32
      scf.if %cond3A_317 {
        %add3A_536 = arith.constant 2 : i32
        %add3A_537 = arith.addi %select_n3A_236, %add3A_536 : i32
        %jit3A_538 = arith.constant 2 : i32
        %eq3A_539 = arith.constant 0 : i32
        %eq3A_540 = arith.cmpi eq, %jit3A_538, %eq3A_539 : i32
        %jit3A_541 = arith.constant 1 : i32
        %select_n3A_542 = arith.select %eq3A_540, %jit3A_541, %jit3A_538 : i32
        %rem3A_543 = arith.remsi %add3A_537, %select_n3A_542 : i32
        %ne3A_544 = arith.constant 0 : i32
        %ne3A_545 = arith.cmpi ne, %rem3A_543, %ne3A_544 : i32
        %lt3A_546 = arith.constant 0 : i32
        %lt3A_547 = arith.cmpi slt, %rem3A_543, %lt3A_546 : i32
        %lt3A_548 = arith.constant 0 : i32
        %lt3A_549 = arith.cmpi slt, %select_n3A_542, %lt3A_548 : i32
        %ne3A_550 = arith.xori %lt3A_547, %lt3A_549 : i1
        %and3A_551 = arith.andi %ne3A_550, %ne3A_545 : i1
        %add3A_552 = arith.addi %rem3A_543, %select_n3A_542 : i32
        %select_n3A_553 = arith.select %and3A_551, %add3A_552, %rem3A_543 : i32
        %mul3A_554 = arith.constant 8 : i32
        %mul3A_555 = arith.muli %select_n3A_553, %mul3A_554 : i32
        %multiple_of3A_556 = tpu.assume_multiple %mul3A_555, 8 : i32
        %add3A_557 = arith.addi %mul3A_2, %add3A_537 : i32
        %mul3A_558 = arith.constant 8 : i32
        %mul3A_559 = arith.muli %add3A_557, %mul3A_558 : i32
        %multiple_of3A_560 = tpu.assume_multiple %mul3A_559, 8 : i32
        %dma_start3A_561 = arith.constant 0 : i32
        %dma_start3A_562 = tpu.memref_slice %arg7[%multiple_of3A_556, %dma_start3A_561] : memref<16x64xi32, #tpu.memory_space<vmem>> -> memref<8x64xi32, #tpu.memory_space<vmem>>
        %dma_start3A_563 = arith.constant 0 : i32
        %dma_start3A_564 = tpu.memref_slice %arg3[%multiple_of3A_560, %dma_start3A_563] : memref<5120x64xi32, #tpu.memory_space<hbm>> -> memref<8x64xi32, #tpu.memory_space<hbm>>
        %dma_start3A_565 = arith.constant 0 : i32
        %dma_start3A_566 = tpu.memref_slice %arg7[%multiple_of3A_556, %dma_start3A_565] : memref<16x64xi32, #tpu.memory_space<vmem>> -> memref<8x64xi32, #tpu.memory_space<vmem>>
        %dma_start3A_567 = arith.constant 0 : i32
        %dma_start3A_568 = tpu.memref_slice %arg3[%multiple_of3A_560, %dma_start3A_567] : memref<5120x64xi32, #tpu.memory_space<hbm>> -> memref<8x64xi32, #tpu.memory_space<hbm>>
        tpu.enqueue_dma source(%dma_start3A_568 : memref<8x64xi32, #tpu.memory_space<hbm>>) target(%dma_start3A_566 : memref<8x64xi32, #tpu.memory_space<vmem>>) target_semaphore(%arg13 : memref<!tpu.dma_semaphore, #tpu.memory_space<semaphore_mem>>)
        %dma_start3A_569 = arith.constant 0 : i32
        %dma_start3A_570 = tpu.memref_slice %arg8[%multiple_of3A_556, %dma_start3A_569] : memref<16x64xi32, #tpu.memory_space<vmem>> -> memref<8x64xi32, #tpu.memory_space<vmem>>
        %dma_start3A_571 = arith.constant 0 : i32
        %dma_start3A_572 = tpu.memref_slice %arg4[%multiple_of3A_560, %dma_start3A_571] : memref<5120x64xi32, #tpu.memory_space<hbm>> -> memref<8x64xi32, #tpu.memory_space<hbm>>
        %dma_start3A_573 = arith.constant 0 : i32
        %dma_start3A_574 = tpu.memref_slice %arg8[%multiple_of3A_556, %dma_start3A_573] : memref<16x64xi32, #tpu.memory_space<vmem>> -> memref<8x64xi32, #tpu.memory_space<vmem>>
        %dma_start3A_575 = arith.constant 0 : i32
        %dma_start3A_576 = tpu.memref_slice %arg4[%multiple_of3A_560, %dma_start3A_575] : memref<5120x64xi32, #tpu.memory_space<hbm>> -> memref<8x64xi32, #tpu.memory_space<hbm>>
        tpu.enqueue_dma source(%dma_start3A_576 : memref<8x64xi32, #tpu.memory_space<hbm>>) target(%dma_start3A_574 : memref<8x64xi32, #tpu.memory_space<vmem>>) target_semaphore(%arg13 : memref<!tpu.dma_semaphore, #tpu.memory_space<semaphore_mem>>)
      } else {
      }
      %mul3A_318 = arith.constant 4 : i32
      %mul3A_319 = arith.muli %scan3A_111, %mul3A_318 : i32
      %add3A_320 = arith.constant 2 : i32
      %add3A_321 = arith.addi %mul3A_319, %add3A_320 : i32
      %jit3A_322 = arith.constant 8 : i32
      %div3A_323 = arith.divsi %add3A_321, %jit3A_322 : i32
      %sign3A_324 = arith.constant 0 : i32
      %sign3A_325 = arith.cmpi sgt, %add3A_321, %sign3A_324 : i32
      %sign3A_326 = arith.extui %sign3A_325 : i1 to i32
      %sign3A_327 = arith.constant 0 : i32
      %sign3A_328 = arith.cmpi slt, %add3A_321, %sign3A_327 : i32
      %sign3A_329 = arith.extui %sign3A_328 : i1 to i32
      %sign3A_330 = arith.subi %sign3A_326, %sign3A_329 : i32
      %sign3A_331 = arith.constant 0 : i32
      %sign3A_332 = arith.cmpi sgt, %jit3A_322, %sign3A_331 : i32
      %sign3A_333 = arith.extui %sign3A_332 : i1 to i32
      %sign3A_334 = arith.constant 0 : i32
      %sign3A_335 = arith.cmpi slt, %jit3A_322, %sign3A_334 : i32
      %sign3A_336 = arith.extui %sign3A_335 : i1 to i32
      %sign3A_337 = arith.subi %sign3A_333, %sign3A_336 : i32
      %ne3A_338 = arith.cmpi ne, %sign3A_330, %sign3A_337 : i32
      %rem3A_339 = arith.remsi %add3A_321, %jit3A_322 : i32
      %ne3A_340 = arith.constant 0 : i32
      %ne3A_341 = arith.cmpi ne, %rem3A_339, %ne3A_340 : i32
      %and3A_342 = arith.andi %ne3A_338, %ne3A_341 : i1
      %sub3A_343 = arith.constant 1 : i32
      %sub3A_344 = arith.subi %div3A_323, %sub3A_343 : i32
      %select_n3A_345 = arith.select %and3A_342, %sub3A_344, %div3A_323 : i32
      %jit3A_346 = arith.constant 8 : i32
      %eq3A_347 = arith.constant 0 : i32
      %eq3A_348 = arith.cmpi eq, %jit3A_346, %eq3A_347 : i32
      %jit3A_349 = arith.constant 1 : i32
      %select_n3A_350 = arith.select %eq3A_348, %jit3A_349, %jit3A_346 : i32
      %rem3A_351 = arith.remsi %add3A_321, %select_n3A_350 : i32
      %ne3A_352 = arith.constant 0 : i32
      %ne3A_353 = arith.cmpi ne, %rem3A_351, %ne3A_352 : i32
      %lt3A_354 = arith.constant 0 : i32
      %lt3A_355 = arith.cmpi slt, %rem3A_351, %lt3A_354 : i32
      %lt3A_356 = arith.constant 0 : i32
      %lt3A_357 = arith.cmpi slt, %select_n3A_350, %lt3A_356 : i32
      %ne3A_358 = arith.xori %lt3A_355, %lt3A_357 : i1
      %and3A_359 = arith.andi %ne3A_358, %ne3A_353 : i1
      %add3A_360 = arith.addi %rem3A_351, %select_n3A_350 : i32
      %select_n3A_361 = arith.select %and3A_359, %add3A_360, %rem3A_351 : i32
      %eq3A_362 = arith.constant 4 : i32
      %eq3A_363 = arith.cmpi eq, %select_n3A_361, %eq3A_362 : i32
      %add3A_364 = arith.constant 1 : i32
      %add3A_365 = arith.addi %select_n3A_345, %add3A_364 : i32
      %lt3A_366 = arith.constant 20 : i32
      %lt3A_367 = arith.cmpi slt, %add3A_365, %lt3A_366 : i32
      %and3A_368 = arith.andi %eq3A_363, %lt3A_367 : i1
      %convert_element_type3A_369 = arith.extui %and3A_368 : i1 to i32
      %cond3A_370 = arith.constant 0 : i32
      %cond3A_371 = arith.cmpi ne, %convert_element_type3A_369, %cond3A_370 : i32
      scf.if %cond3A_371 {
        %add3A_536 = arith.constant 1 : i32
        %add3A_537 = arith.addi %select_n3A_345, %add3A_536 : i32
        %jit3A_538 = arith.constant 2 : i32
        %eq3A_539 = arith.constant 0 : i32
        %eq3A_540 = arith.cmpi eq, %jit3A_538, %eq3A_539 : i32
        %jit3A_541 = arith.constant 1 : i32
        %select_n3A_542 = arith.select %eq3A_540, %jit3A_541, %jit3A_538 : i32
        %rem3A_543 = arith.remsi %add3A_537, %select_n3A_542 : i32
        %ne3A_544 = arith.constant 0 : i32
        %ne3A_545 = arith.cmpi ne, %rem3A_543, %ne3A_544 : i32
        %lt3A_546 = arith.constant 0 : i32
        %lt3A_547 = arith.cmpi slt, %rem3A_543, %lt3A_546 : i32
        %lt3A_548 = arith.constant 0 : i32
        %lt3A_549 = arith.cmpi slt, %select_n3A_542, %lt3A_548 : i32
        %ne3A_550 = arith.xori %lt3A_547, %lt3A_549 : i1
        %and3A_551 = arith.andi %ne3A_550, %ne3A_545 : i1
        %add3A_552 = arith.addi %rem3A_543, %select_n3A_542 : i32
        %select_n3A_553 = arith.select %and3A_551, %add3A_552, %rem3A_543 : i32
        %mul3A_554 = arith.constant 8 : i32
        %mul3A_555 = arith.muli %select_n3A_553, %mul3A_554 : i32
        %multiple_of3A_556 = tpu.assume_multiple %mul3A_555, 8 : i32
        %add3A_557 = arith.addi %mul3A_2, %add3A_537 : i32
        %mul3A_558 = arith.constant 8 : i32
        %mul3A_559 = arith.muli %add3A_557, %mul3A_558 : i32
        %multiple_of3A_560 = tpu.assume_multiple %mul3A_559, 8 : i32
        %dma_wait3A_561 = arith.constant 0 : i32
        %dma_wait3A_562 = tpu.memref_slice %arg7[%multiple_of3A_556, %dma_wait3A_561] : memref<16x64xi32, #tpu.memory_space<vmem>> -> memref<8x64xi32, #tpu.memory_space<vmem>>
        %dma_wait3A_563 = arith.constant 0 : i32
        %dma_wait3A_564 = tpu.memref_slice %arg3[%multiple_of3A_560, %dma_wait3A_563] : memref<5120x64xi32, #tpu.memory_space<hbm>> -> memref<8x64xi32, #tpu.memory_space<hbm>>
        %dma_wait3A_565 = arith.constant 0 : i32
        %dma_wait3A_566 = tpu.memref_slice %arg7[%multiple_of3A_556, %dma_wait3A_565] : memref<16x64xi32, #tpu.memory_space<vmem>> -> memref<8x64xi32, #tpu.memory_space<vmem>>
        %dma_wait3A_567 = arith.constant 0 : i32
        %dma_wait3A_568 = tpu.memref_slice %arg3[%multiple_of3A_560, %dma_wait3A_567] : memref<5120x64xi32, #tpu.memory_space<hbm>> -> memref<8x64xi32, #tpu.memory_space<hbm>>
        tpu.wait_dma2 semaphore(%arg13 : memref<!tpu.dma_semaphore, #tpu.memory_space<semaphore_mem>>) src(%dma_wait3A_568 : memref<8x64xi32, #tpu.memory_space<hbm>>) dst(%dma_wait3A_566 : memref<8x64xi32, #tpu.memory_space<vmem>>)
        %dma_wait3A_569 = arith.constant 0 : i32
        %dma_wait3A_570 = tpu.memref_slice %arg8[%multiple_of3A_556, %dma_wait3A_569] : memref<16x64xi32, #tpu.memory_space<vmem>> -> memref<8x64xi32, #tpu.memory_space<vmem>>
        %dma_wait3A_571 = arith.constant 0 : i32
        %dma_wait3A_572 = tpu.memref_slice %arg4[%multiple_of3A_560, %dma_wait3A_571] : memref<5120x64xi32, #tpu.memory_space<hbm>> -> memref<8x64xi32, #tpu.memory_space<hbm>>
        %dma_wait3A_573 = arith.constant 0 : i32
        %dma_wait3A_574 = tpu.memref_slice %arg8[%multiple_of3A_556, %dma_wait3A_573] : memref<16x64xi32, #tpu.memory_space<vmem>> -> memref<8x64xi32, #tpu.memory_space<vmem>>
        %dma_wait3A_575 = arith.constant 0 : i32
        %dma_wait3A_576 = tpu.memref_slice %arg4[%multiple_of3A_560, %dma_wait3A_575] : memref<5120x64xi32, #tpu.memory_space<hbm>> -> memref<8x64xi32, #tpu.memory_space<hbm>>
        tpu.wait_dma2 semaphore(%arg13 : memref<!tpu.dma_semaphore, #tpu.memory_space<semaphore_mem>>) src(%dma_wait3A_576 : memref<8x64xi32, #tpu.memory_space<hbm>>) dst(%dma_wait3A_574 : memref<8x64xi32, #tpu.memory_space<vmem>>)
      } else {
      }
      %add3A_372 = arith.constant 3 : i32
      %add3A_373 = arith.addi %add3A_321, %add3A_372 : i32
      %lt3A_374 = arith.constant 160 : i32
      %lt3A_375 = arith.cmpi slt, %add3A_373, %lt3A_374 : i32
      %convert_element_type3A_376 = arith.extui %lt3A_375 : i1 to i32
      %cond3A_377 = arith.constant 0 : i32
      %cond3A_378 = arith.cmpi ne, %convert_element_type3A_376, %cond3A_377 : i32
      scf.if %cond3A_378 {
        %add3A_536 = arith.constant 3 : i32
        %add3A_537 = arith.addi %add3A_321, %add3A_536 : i32
        %jit3A_538 = arith.constant 16 : i32
        %eq3A_539 = arith.constant 0 : i32
        %eq3A_540 = arith.cmpi eq, %jit3A_538, %eq3A_539 : i32
        %jit3A_541 = arith.constant 1 : i32
        %select_n3A_542 = arith.select %eq3A_540, %jit3A_541, %jit3A_538 : i32
        %rem3A_543 = arith.remsi %add3A_537, %select_n3A_542 : i32
        %ne3A_544 = arith.constant 0 : i32
        %ne3A_545 = arith.cmpi ne, %rem3A_543, %ne3A_544 : i32
        %lt3A_546 = arith.constant 0 : i32
        %lt3A_547 = arith.cmpi slt, %rem3A_543, %lt3A_546 : i32
        %lt3A_548 = arith.constant 0 : i32
        %lt3A_549 = arith.cmpi slt, %select_n3A_542, %lt3A_548 : i32
        %ne3A_550 = arith.xori %lt3A_547, %lt3A_549 : i1
        %and3A_551 = arith.andi %ne3A_550, %ne3A_545 : i1
        %add3A_552 = arith.addi %rem3A_543, %select_n3A_542 : i32
        %select_n3A_553 = arith.select %and3A_551, %add3A_552, %rem3A_543 : i32
        %dma_start3A_554 = arith.constant 0 : i32
        %dma_start3A_555 = tpu.memref_slice %arg7[%select_n3A_553, %dma_start3A_554] : memref<16x64xi32, #tpu.memory_space<vmem>> -> memref<1x64xi32, #tpu.memory_space<vmem>>
        %dma_start3A_556 = tpu.memref_squeeze %dma_start3A_555 : memref<1x64xi32, #tpu.memory_space<vmem>> -> memref<64xi32, #tpu.memory_space<vmem>>
        %dma_start3A_557 = arith.constant 0 : i32
        %dma_start3A_558 = arith.constant 0 : i32
        %dma_start3A_559 = tpu.memref_slice %arg2[%dma_start3A_557, %dma_start3A_558] : memref<10000x128xf32, #tpu.memory_space<hbm>> -> memref<10000x128xf32, #tpu.memory_space<hbm>>
        tpu.enqueue_indirect_dma source(%dma_start3A_559 : memref<10000x128xf32, #tpu.memory_space<hbm>>) target(%arg10 : memref<64x128xf32, #tpu.memory_space<vmem>>) offsets(%dma_start3A_556 : memref<64xi32, #tpu.memory_space<vmem>>) semaphore(%arg15 : memref<!tpu.dma_semaphore, #tpu.memory_space<semaphore_mem>>)
      } else {
      }
      %jit3A_379 = arith.constant 16 : i32
      %eq3A_380 = arith.constant 0 : i32
      %eq3A_381 = arith.cmpi eq, %jit3A_379, %eq3A_380 : i32
      %jit3A_382 = arith.constant 1 : i32
      %select_n3A_383 = arith.select %eq3A_381, %jit3A_382, %jit3A_379 : i32
      %rem3A_384 = arith.remsi %add3A_321, %select_n3A_383 : i32
      %ne3A_385 = arith.constant 0 : i32
      %ne3A_386 = arith.cmpi ne, %rem3A_384, %ne3A_385 : i32
      %lt3A_387 = arith.constant 0 : i32
      %lt3A_388 = arith.cmpi slt, %rem3A_384, %lt3A_387 : i32
      %lt3A_389 = arith.constant 0 : i32
      %lt3A_390 = arith.cmpi slt, %select_n3A_383, %lt3A_389 : i32
      %ne3A_391 = arith.xori %lt3A_388, %lt3A_390 : i1
      %and3A_392 = arith.andi %ne3A_391, %ne3A_386 : i1
      %add3A_393 = arith.addi %rem3A_384, %select_n3A_383 : i32
      %select_n3A_394 = arith.select %and3A_392, %add3A_393, %rem3A_384 : i32
      %dma_wait3A_395 = arith.constant 0 : i32
      %dma_wait3A_396 = tpu.memref_slice %arg7[%select_n3A_394, %dma_wait3A_395] : memref<16x64xi32, #tpu.memory_space<vmem>> -> memref<1x64xi32, #tpu.memory_space<vmem>>
      %dma_wait3A_397 = tpu.memref_squeeze %dma_wait3A_396 : memref<1x64xi32, #tpu.memory_space<vmem>> -> memref<64xi32, #tpu.memory_space<vmem>>
      %dma_wait3A_398 = arith.constant 0 : i32
      %dma_wait3A_399 = arith.constant 0 : i32
      %dma_wait3A_400 = tpu.memref_slice %arg2[%dma_wait3A_398, %dma_wait3A_399] : memref<10000x128xf32, #tpu.memory_space<hbm>> -> memref<10000x128xf32, #tpu.memory_space<hbm>>
      tpu.wait_indirect_dma semaphore(%arg16 : memref<!tpu.dma_semaphore, #tpu.memory_space<semaphore_mem>>) src(%dma_wait3A_400 : memref<10000x128xf32, #tpu.memory_space<hbm>>) dst(%arg11 : memref<64x128xf32, #tpu.memory_space<vmem>>)
      %jit3A_401 = arith.constant 16 : i32
      %eq3A_402 = arith.constant 0 : i32
      %eq3A_403 = arith.cmpi eq, %jit3A_401, %eq3A_402 : i32
      %jit3A_404 = arith.constant 1 : i32
      %select_n3A_405 = arith.select %eq3A_403, %jit3A_404, %jit3A_401 : i32
      %rem3A_406 = arith.remsi %add3A_321, %select_n3A_405 : i32
      %ne3A_407 = arith.constant 0 : i32
      %ne3A_408 = arith.cmpi ne, %rem3A_406, %ne3A_407 : i32
      %lt3A_409 = arith.constant 0 : i32
      %lt3A_410 = arith.cmpi slt, %rem3A_406, %lt3A_409 : i32
      %lt3A_411 = arith.constant 0 : i32
      %lt3A_412 = arith.cmpi slt, %select_n3A_405, %lt3A_411 : i32
      %ne3A_413 = arith.xori %lt3A_410, %lt3A_412 : i1
      %and3A_414 = arith.andi %ne3A_413, %ne3A_408 : i1
      %add3A_415 = arith.addi %rem3A_406, %select_n3A_405 : i32
      %select_n3A_416 = arith.select %and3A_414, %add3A_415, %rem3A_406 : i32
      "tpu.region"() ({
        %run_scoped3A = tpu.sem_alloc : memref<!tpu.dma_semaphore, #tpu.memory_space<semaphore_mem>>
        %dma_start3A_536 = arith.constant 0 : i32
        %dma_start3A_537 = tpu.memref_slice %arg8[%select_n3A_416, %dma_start3A_536] : memref<16x64xi32, #tpu.memory_space<vmem>> -> memref<1x64xi32, #tpu.memory_space<vmem>>
        %dma_start3A_538 = tpu.memref_squeeze %dma_start3A_537 : memref<1x64xi32, #tpu.memory_space<vmem>> -> memref<64xi32, #tpu.memory_space<vmem>>
        %dma_start3A_539 = arith.constant 0 : i32
        %dma_start3A_540 = arith.constant 0 : i32
        %dma_start3A_541 = tpu.memref_slice %arg6[%dma_start3A_539, %dma_start3A_540] : memref<10240x128xf32, #tpu.memory_space<vmem_shared>> -> memref<10240x128xf32, #tpu.memory_space<vmem_shared>>
        tpu.enqueue_indirect_dma source(%arg11 : memref<64x128xf32, #tpu.memory_space<vmem>>) target(%dma_start3A_541 : memref<10240x128xf32, #tpu.memory_space<vmem_shared>>) offsets(%dma_start3A_538 : memref<64xi32, #tpu.memory_space<vmem>>) semaphore(%run_scoped3A : memref<!tpu.dma_semaphore, #tpu.memory_space<semaphore_mem>>) {add = true}
        %dma_wait3A_542 = arith.constant 0 : i32
        %dma_wait3A_543 = tpu.memref_slice %arg8[%select_n3A_416, %dma_wait3A_542] : memref<16x64xi32, #tpu.memory_space<vmem>> -> memref<1x64xi32, #tpu.memory_space<vmem>>
        %dma_wait3A_544 = tpu.memref_squeeze %dma_wait3A_543 : memref<1x64xi32, #tpu.memory_space<vmem>> -> memref<64xi32, #tpu.memory_space<vmem>>
        %dma_wait3A_545 = arith.constant 0 : i32
        %dma_wait3A_546 = arith.constant 0 : i32
        %dma_wait3A_547 = tpu.memref_slice %arg6[%dma_wait3A_545, %dma_wait3A_546] : memref<10240x128xf32, #tpu.memory_space<vmem_shared>> -> memref<10240x128xf32, #tpu.memory_space<vmem_shared>>
        tpu.wait_indirect_dma semaphore(%run_scoped3A : memref<!tpu.dma_semaphore, #tpu.memory_space<semaphore_mem>>) src(%arg11 : memref<64x128xf32, #tpu.memory_space<vmem>>) dst(%dma_wait3A_547 : memref<10240x128xf32, #tpu.memory_space<vmem_shared>>)
        tpu.yield
      }) : () -> ()
      %eq3A_417 = arith.constant 7 : i32
      %eq3A_418 = arith.cmpi eq, %select_n3A_361, %eq3A_417 : i32
      %add3A_419 = arith.constant 2 : i32
      %add3A_420 = arith.addi %select_n3A_345, %add3A_419 : i32
      %lt3A_421 = arith.constant 20 : i32
      %lt3A_422 = arith.cmpi slt, %add3A_420, %lt3A_421 : i32
      %and3A_423 = arith.andi %eq3A_418, %lt3A_422 : i1
      %convert_element_type3A_424 = arith.extui %and3A_423 : i1 to i32
      %cond3A_425 = arith.constant 0 : i32
      %cond3A_426 = arith.cmpi ne, %convert_element_type3A_424, %cond3A_425 : i32
      scf.if %cond3A_426 {
        %add3A_536 = arith.constant 2 : i32
        %add3A_537 = arith.addi %select_n3A_345, %add3A_536 : i32
        %jit3A_538 = arith.constant 2 : i32
        %eq3A_539 = arith.constant 0 : i32
        %eq3A_540 = arith.cmpi eq, %jit3A_538, %eq3A_539 : i32
        %jit3A_541 = arith.constant 1 : i32
        %select_n3A_542 = arith.select %eq3A_540, %jit3A_541, %jit3A_538 : i32
        %rem3A_543 = arith.remsi %add3A_537, %select_n3A_542 : i32
        %ne3A_544 = arith.constant 0 : i32
        %ne3A_545 = arith.cmpi ne, %rem3A_543, %ne3A_544 : i32
        %lt3A_546 = arith.constant 0 : i32
        %lt3A_547 = arith.cmpi slt, %rem3A_543, %lt3A_546 : i32
        %lt3A_548 = arith.constant 0 : i32
        %lt3A_549 = arith.cmpi slt, %select_n3A_542, %lt3A_548 : i32
        %ne3A_550 = arith.xori %lt3A_547, %lt3A_549 : i1
        %and3A_551 = arith.andi %ne3A_550, %ne3A_545 : i1
        %add3A_552 = arith.addi %rem3A_543, %select_n3A_542 : i32
        %select_n3A_553 = arith.select %and3A_551, %add3A_552, %rem3A_543 : i32
        %mul3A_554 = arith.constant 8 : i32
        %mul3A_555 = arith.muli %select_n3A_553, %mul3A_554 : i32
        %multiple_of3A_556 = tpu.assume_multiple %mul3A_555, 8 : i32
        %add3A_557 = arith.addi %mul3A_2, %add3A_537 : i32
        %mul3A_558 = arith.constant 8 : i32
        %mul3A_559 = arith.muli %add3A_557, %mul3A_558 : i32
        %multiple_of3A_560 = tpu.assume_multiple %mul3A_559, 8 : i32
        %dma_start3A_561 = arith.constant 0 : i32
        %dma_start3A_562 = tpu.memref_slice %arg7[%multiple_of3A_556, %dma_start3A_561] : memref<16x64xi32, #tpu.memory_space<vmem>> -> memref<8x64xi32, #tpu.memory_space<vmem>>
        %dma_start3A_563 = arith.constant 0 : i32
        %dma_start3A_564 = tpu.memref_slice %arg3[%multiple_of3A_560, %dma_start3A_563] : memref<5120x64xi32, #tpu.memory_space<hbm>> -> memref<8x64xi32, #tpu.memory_space<hbm>>
        %dma_start3A_565 = arith.constant 0 : i32
        %dma_start3A_566 = tpu.memref_slice %arg7[%multiple_of3A_556, %dma_start3A_565] : memref<16x64xi32, #tpu.memory_space<vmem>> -> memref<8x64xi32, #tpu.memory_space<vmem>>
        %dma_start3A_567 = arith.constant 0 : i32
        %dma_start3A_568 = tpu.memref_slice %arg3[%multiple_of3A_560, %dma_start3A_567] : memref<5120x64xi32, #tpu.memory_space<hbm>> -> memref<8x64xi32, #tpu.memory_space<hbm>>
        tpu.enqueue_dma source(%dma_start3A_568 : memref<8x64xi32, #tpu.memory_space<hbm>>) target(%dma_start3A_566 : memref<8x64xi32, #tpu.memory_space<vmem>>) target_semaphore(%arg13 : memref<!tpu.dma_semaphore, #tpu.memory_space<semaphore_mem>>)
        %dma_start3A_569 = arith.constant 0 : i32
        %dma_start3A_570 = tpu.memref_slice %arg8[%multiple_of3A_556, %dma_start3A_569] : memref<16x64xi32, #tpu.memory_space<vmem>> -> memref<8x64xi32, #tpu.memory_space<vmem>>
        %dma_start3A_571 = arith.constant 0 : i32
        %dma_start3A_572 = tpu.memref_slice %arg4[%multiple_of3A_560, %dma_start3A_571] : memref<5120x64xi32, #tpu.memory_space<hbm>> -> memref<8x64xi32, #tpu.memory_space<hbm>>
        %dma_start3A_573 = arith.constant 0 : i32
        %dma_start3A_574 = tpu.memref_slice %arg8[%multiple_of3A_556, %dma_start3A_573] : memref<16x64xi32, #tpu.memory_space<vmem>> -> memref<8x64xi32, #tpu.memory_space<vmem>>
        %dma_start3A_575 = arith.constant 0 : i32
        %dma_start3A_576 = tpu.memref_slice %arg4[%multiple_of3A_560, %dma_start3A_575] : memref<5120x64xi32, #tpu.memory_space<hbm>> -> memref<8x64xi32, #tpu.memory_space<hbm>>
        tpu.enqueue_dma source(%dma_start3A_576 : memref<8x64xi32, #tpu.memory_space<hbm>>) target(%dma_start3A_574 : memref<8x64xi32, #tpu.memory_space<vmem>>) target_semaphore(%arg13 : memref<!tpu.dma_semaphore, #tpu.memory_space<semaphore_mem>>)
      } else {
      }
      %mul3A_427 = arith.constant 4 : i32
      %mul3A_428 = arith.muli %scan3A_111, %mul3A_427 : i32
      %add3A_429 = arith.constant 3 : i32
      %add3A_430 = arith.addi %mul3A_428, %add3A_429 : i32
      %jit3A_431 = arith.constant 8 : i32
      %div3A_432 = arith.divsi %add3A_430, %jit3A_431 : i32
      %sign3A_433 = arith.constant 0 : i32
      %sign3A_434 = arith.cmpi sgt, %add3A_430, %sign3A_433 : i32
      %sign3A_435 = arith.extui %sign3A_434 : i1 to i32
      %sign3A_436 = arith.constant 0 : i32
      %sign3A_437 = arith.cmpi slt, %add3A_430, %sign3A_436 : i32
      %sign3A_438 = arith.extui %sign3A_437 : i1 to i32
      %sign3A_439 = arith.subi %sign3A_435, %sign3A_438 : i32
      %sign3A_440 = arith.constant 0 : i32
      %sign3A_441 = arith.cmpi sgt, %jit3A_431, %sign3A_440 : i32
      %sign3A_442 = arith.extui %sign3A_441 : i1 to i32
      %sign3A_443 = arith.constant 0 : i32
      %sign3A_444 = arith.cmpi slt, %jit3A_431, %sign3A_443 : i32
      %sign3A_445 = arith.extui %sign3A_444 : i1 to i32
      %sign3A_446 = arith.subi %sign3A_442, %sign3A_445 : i32
      %ne3A_447 = arith.cmpi ne, %sign3A_439, %sign3A_446 : i32
      %rem3A_448 = arith.remsi %add3A_430, %jit3A_431 : i32
      %ne3A_449 = arith.constant 0 : i32
      %ne3A_450 = arith.cmpi ne, %rem3A_448, %ne3A_449 : i32
      %and3A_451 = arith.andi %ne3A_447, %ne3A_450 : i1
      %sub3A_452 = arith.constant 1 : i32
      %sub3A_453 = arith.subi %div3A_432, %sub3A_452 : i32
      %select_n3A_454 = arith.select %and3A_451, %sub3A_453, %div3A_432 : i32
      %jit3A_455 = arith.constant 8 : i32
      %eq3A_456 = arith.constant 0 : i32
      %eq3A_457 = arith.cmpi eq, %jit3A_455, %eq3A_456 : i32
      %jit3A_458 = arith.constant 1 : i32
      %select_n3A_459 = arith.select %eq3A_457, %jit3A_458, %jit3A_455 : i32
      %rem3A_460 = arith.remsi %add3A_430, %select_n3A_459 : i32
      %ne3A_461 = arith.constant 0 : i32
      %ne3A_462 = arith.cmpi ne, %rem3A_460, %ne3A_461 : i32
      %lt3A_463 = arith.constant 0 : i32
      %lt3A_464 = arith.cmpi slt, %rem3A_460, %lt3A_463 : i32
      %lt3A_465 = arith.constant 0 : i32
      %lt3A_466 = arith.cmpi slt, %select_n3A_459, %lt3A_465 : i32
      %ne3A_467 = arith.xori %lt3A_464, %lt3A_466 : i1
      %and3A_468 = arith.andi %ne3A_467, %ne3A_462 : i1
      %add3A_469 = arith.addi %rem3A_460, %select_n3A_459 : i32
      %select_n3A_470 = arith.select %and3A_468, %add3A_469, %rem3A_460 : i32
      %eq3A_471 = arith.constant 4 : i32
      %eq3A_472 = arith.cmpi eq, %select_n3A_470, %eq3A_471 : i32
      %add3A_473 = arith.constant 1 : i32
      %add3A_474 = arith.addi %select_n3A_454, %add3A_473 : i32
      %lt3A_475 = arith.constant 20 : i32
      %lt3A_476 = arith.cmpi slt, %add3A_474, %lt3A_475 : i32
      %and3A_477 = arith.andi %eq3A_472, %lt3A_476 : i1
      %convert_element_type3A_478 = arith.extui %and3A_477 : i1 to i32
      %cond3A_479 = arith.constant 0 : i32
      %cond3A_480 = arith.cmpi ne, %convert_element_type3A_478, %cond3A_479 : i32
      scf.if %cond3A_480 {
        %add3A_536 = arith.constant 1 : i32
        %add3A_537 = arith.addi %select_n3A_454, %add3A_536 : i32
        %jit3A_538 = arith.constant 2 : i32
        %eq3A_539 = arith.constant 0 : i32
        %eq3A_540 = arith.cmpi eq, %jit3A_538, %eq3A_539 : i32
        %jit3A_541 = arith.constant 1 : i32
        %select_n3A_542 = arith.select %eq3A_540, %jit3A_541, %jit3A_538 : i32
        %rem3A_543 = arith.remsi %add3A_537, %select_n3A_542 : i32
        %ne3A_544 = arith.constant 0 : i32
        %ne3A_545 = arith.cmpi ne, %rem3A_543, %ne3A_544 : i32
        %lt3A_546 = arith.constant 0 : i32
        %lt3A_547 = arith.cmpi slt, %rem3A_543, %lt3A_546 : i32
        %lt3A_548 = arith.constant 0 : i32
        %lt3A_549 = arith.cmpi slt, %select_n3A_542, %lt3A_548 : i32
        %ne3A_550 = arith.xori %lt3A_547, %lt3A_549 : i1
        %and3A_551 = arith.andi %ne3A_550, %ne3A_545 : i1
        %add3A_552 = arith.addi %rem3A_543, %select_n3A_542 : i32
        %select_n3A_553 = arith.select %and3A_551, %add3A_552, %rem3A_543 : i32
        %mul3A_554 = arith.constant 8 : i32
        %mul3A_555 = arith.muli %select_n3A_553, %mul3A_554 : i32
        %multiple_of3A_556 = tpu.assume_multiple %mul3A_555, 8 : i32
        %add3A_557 = arith.addi %mul3A_2, %add3A_537 : i32
        %mul3A_558 = arith.constant 8 : i32
        %mul3A_559 = arith.muli %add3A_557, %mul3A_558 : i32
        %multiple_of3A_560 = tpu.assume_multiple %mul3A_559, 8 : i32
        %dma_wait3A_561 = arith.constant 0 : i32
        %dma_wait3A_562 = tpu.memref_slice %arg7[%multiple_of3A_556, %dma_wait3A_561] : memref<16x64xi32, #tpu.memory_space<vmem>> -> memref<8x64xi32, #tpu.memory_space<vmem>>
        %dma_wait3A_563 = arith.constant 0 : i32
        %dma_wait3A_564 = tpu.memref_slice %arg3[%multiple_of3A_560, %dma_wait3A_563] : memref<5120x64xi32, #tpu.memory_space<hbm>> -> memref<8x64xi32, #tpu.memory_space<hbm>>
        %dma_wait3A_565 = arith.constant 0 : i32
        %dma_wait3A_566 = tpu.memref_slice %arg7[%multiple_of3A_556, %dma_wait3A_565] : memref<16x64xi32, #tpu.memory_space<vmem>> -> memref<8x64xi32, #tpu.memory_space<vmem>>
        %dma_wait3A_567 = arith.constant 0 : i32
        %dma_wait3A_568 = tpu.memref_slice %arg3[%multiple_of3A_560, %dma_wait3A_567] : memref<5120x64xi32, #tpu.memory_space<hbm>> -> memref<8x64xi32, #tpu.memory_space<hbm>>
        tpu.wait_dma2 semaphore(%arg13 : memref<!tpu.dma_semaphore, #tpu.memory_space<semaphore_mem>>) src(%dma_wait3A_568 : memref<8x64xi32, #tpu.memory_space<hbm>>) dst(%dma_wait3A_566 : memref<8x64xi32, #tpu.memory_space<vmem>>)
        %dma_wait3A_569 = arith.constant 0 : i32
        %dma_wait3A_570 = tpu.memref_slice %arg8[%multiple_of3A_556, %dma_wait3A_569] : memref<16x64xi32, #tpu.memory_space<vmem>> -> memref<8x64xi32, #tpu.memory_space<vmem>>
        %dma_wait3A_571 = arith.constant 0 : i32
        %dma_wait3A_572 = tpu.memref_slice %arg4[%multiple_of3A_560, %dma_wait3A_571] : memref<5120x64xi32, #tpu.memory_space<hbm>> -> memref<8x64xi32, #tpu.memory_space<hbm>>
        %dma_wait3A_573 = arith.constant 0 : i32
        %dma_wait3A_574 = tpu.memref_slice %arg8[%multiple_of3A_556, %dma_wait3A_573] : memref<16x64xi32, #tpu.memory_space<vmem>> -> memref<8x64xi32, #tpu.memory_space<vmem>>
        %dma_wait3A_575 = arith.constant 0 : i32
        %dma_wait3A_576 = tpu.memref_slice %arg4[%multiple_of3A_560, %dma_wait3A_575] : memref<5120x64xi32, #tpu.memory_space<hbm>> -> memref<8x64xi32, #tpu.memory_space<hbm>>
        tpu.wait_dma2 semaphore(%arg13 : memref<!tpu.dma_semaphore, #tpu.memory_space<semaphore_mem>>) src(%dma_wait3A_576 : memref<8x64xi32, #tpu.memory_space<hbm>>) dst(%dma_wait3A_574 : memref<8x64xi32, #tpu.memory_space<vmem>>)
      } else {
      }
      %add3A_481 = arith.constant 3 : i32
      %add3A_482 = arith.addi %add3A_430, %add3A_481 : i32
      %lt3A_483 = arith.constant 160 : i32
      %lt3A_484 = arith.cmpi slt, %add3A_482, %lt3A_483 : i32
      %convert_element_type3A_485 = arith.extui %lt3A_484 : i1 to i32
      %cond3A_486 = arith.constant 0 : i32
      %cond3A_487 = arith.cmpi ne, %convert_element_type3A_485, %cond3A_486 : i32
      scf.if %cond3A_487 {
        %add3A_536 = arith.constant 3 : i32
        %add3A_537 = arith.addi %add3A_430, %add3A_536 : i32
        %jit3A_538 = arith.constant 16 : i32
        %eq3A_539 = arith.constant 0 : i32
        %eq3A_540 = arith.cmpi eq, %jit3A_538, %eq3A_539 : i32
        %jit3A_541 = arith.constant 1 : i32
        %select_n3A_542 = arith.select %eq3A_540, %jit3A_541, %jit3A_538 : i32
        %rem3A_543 = arith.remsi %add3A_537, %select_n3A_542 : i32
        %ne3A_544 = arith.constant 0 : i32
        %ne3A_545 = arith.cmpi ne, %rem3A_543, %ne3A_544 : i32
        %lt3A_546 = arith.constant 0 : i32
        %lt3A_547 = arith.cmpi slt, %rem3A_543, %lt3A_546 : i32
        %lt3A_548 = arith.constant 0 : i32
        %lt3A_549 = arith.cmpi slt, %select_n3A_542, %lt3A_548 : i32
        %ne3A_550 = arith.xori %lt3A_547, %lt3A_549 : i1
        %and3A_551 = arith.andi %ne3A_550, %ne3A_545 : i1
        %add3A_552 = arith.addi %rem3A_543, %select_n3A_542 : i32
        %select_n3A_553 = arith.select %and3A_551, %add3A_552, %rem3A_543 : i32
        %dma_start3A_554 = arith.constant 0 : i32
        %dma_start3A_555 = tpu.memref_slice %arg7[%select_n3A_553, %dma_start3A_554] : memref<16x64xi32, #tpu.memory_space<vmem>> -> memref<1x64xi32, #tpu.memory_space<vmem>>
        %dma_start3A_556 = tpu.memref_squeeze %dma_start3A_555 : memref<1x64xi32, #tpu.memory_space<vmem>> -> memref<64xi32, #tpu.memory_space<vmem>>
        %dma_start3A_557 = arith.constant 0 : i32
        %dma_start3A_558 = arith.constant 0 : i32
        %dma_start3A_559 = tpu.memref_slice %arg2[%dma_start3A_557, %dma_start3A_558] : memref<10000x128xf32, #tpu.memory_space<hbm>> -> memref<10000x128xf32, #tpu.memory_space<hbm>>
        tpu.enqueue_indirect_dma source(%dma_start3A_559 : memref<10000x128xf32, #tpu.memory_space<hbm>>) target(%arg11 : memref<64x128xf32, #tpu.memory_space<vmem>>) offsets(%dma_start3A_556 : memref<64xi32, #tpu.memory_space<vmem>>) semaphore(%arg16 : memref<!tpu.dma_semaphore, #tpu.memory_space<semaphore_mem>>)
      } else {
      }
      %jit3A_488 = arith.constant 16 : i32
      %eq3A_489 = arith.constant 0 : i32
      %eq3A_490 = arith.cmpi eq, %jit3A_488, %eq3A_489 : i32
      %jit3A_491 = arith.constant 1 : i32
      %select_n3A_492 = arith.select %eq3A_490, %jit3A_491, %jit3A_488 : i32
      %rem3A_493 = arith.remsi %add3A_430, %select_n3A_492 : i32
      %ne3A_494 = arith.constant 0 : i32
      %ne3A_495 = arith.cmpi ne, %rem3A_493, %ne3A_494 : i32
      %lt3A_496 = arith.constant 0 : i32
      %lt3A_497 = arith.cmpi slt, %rem3A_493, %lt3A_496 : i32
      %lt3A_498 = arith.constant 0 : i32
      %lt3A_499 = arith.cmpi slt, %select_n3A_492, %lt3A_498 : i32
      %ne3A_500 = arith.xori %lt3A_497, %lt3A_499 : i1
      %and3A_501 = arith.andi %ne3A_500, %ne3A_495 : i1
      %add3A_502 = arith.addi %rem3A_493, %select_n3A_492 : i32
      %select_n3A_503 = arith.select %and3A_501, %add3A_502, %rem3A_493 : i32
      %dma_wait3A_504 = arith.constant 0 : i32
      %dma_wait3A_505 = tpu.memref_slice %arg7[%select_n3A_503, %dma_wait3A_504] : memref<16x64xi32, #tpu.memory_space<vmem>> -> memref<1x64xi32, #tpu.memory_space<vmem>>
      %dma_wait3A_506 = tpu.memref_squeeze %dma_wait3A_505 : memref<1x64xi32, #tpu.memory_space<vmem>> -> memref<64xi32, #tpu.memory_space<vmem>>
      %dma_wait3A_507 = arith.constant 0 : i32
      %dma_wait3A_508 = arith.constant 0 : i32
      %dma_wait3A_509 = tpu.memref_slice %arg2[%dma_wait3A_507, %dma_wait3A_508] : memref<10000x128xf32, #tpu.memory_space<hbm>> -> memref<10000x128xf32, #tpu.memory_space<hbm>>
      tpu.wait_indirect_dma semaphore(%arg17 : memref<!tpu.dma_semaphore, #tpu.memory_space<semaphore_mem>>) src(%dma_wait3A_509 : memref<10000x128xf32, #tpu.memory_space<hbm>>) dst(%arg12 : memref<64x128xf32, #tpu.memory_space<vmem>>)
      %jit3A_510 = arith.constant 16 : i32
      %eq3A_511 = arith.constant 0 : i32
      %eq3A_512 = arith.cmpi eq, %jit3A_510, %eq3A_511 : i32
      %jit3A_513 = arith.constant 1 : i32
      %select_n3A_514 = arith.select %eq3A_512, %jit3A_513, %jit3A_510 : i32
      %rem3A_515 = arith.remsi %add3A_430, %select_n3A_514 : i32
      %ne3A_516 = arith.constant 0 : i32
      %ne3A_517 = arith.cmpi ne, %rem3A_515, %ne3A_516 : i32
      %lt3A_518 = arith.constant 0 : i32
      %lt3A_519 = arith.cmpi slt, %rem3A_515, %lt3A_518 : i32
      %lt3A_520 = arith.constant 0 : i32
      %lt3A_521 = arith.cmpi slt, %select_n3A_514, %lt3A_520 : i32
      %ne3A_522 = arith.xori %lt3A_519, %lt3A_521 : i1
      %and3A_523 = arith.andi %ne3A_522, %ne3A_517 : i1
      %add3A_524 = arith.addi %rem3A_515, %select_n3A_514 : i32
      %select_n3A_525 = arith.select %and3A_523, %add3A_524, %rem3A_515 : i32
      "tpu.region"() ({
        %run_scoped3A = tpu.sem_alloc : memref<!tpu.dma_semaphore, #tpu.memory_space<semaphore_mem>>
        %dma_start3A_536 = arith.constant 0 : i32
        %dma_start3A_537 = tpu.memref_slice %arg8[%select_n3A_525, %dma_start3A_536] : memref<16x64xi32, #tpu.memory_space<vmem>> -> memref<1x64xi32, #tpu.memory_space<vmem>>
        %dma_start3A_538 = tpu.memref_squeeze %dma_start3A_537 : memref<1x64xi32, #tpu.memory_space<vmem>> -> memref<64xi32, #tpu.memory_space<vmem>>
        %dma_start3A_539 = arith.constant 0 : i32
        %dma_start3A_540 = arith.constant 0 : i32
        %dma_start3A_541 = tpu.memref_slice %arg6[%dma_start3A_539, %dma_start3A_540] : memref<10240x128xf32, #tpu.memory_space<vmem_shared>> -> memref<10240x128xf32, #tpu.memory_space<vmem_shared>>
        tpu.enqueue_indirect_dma source(%arg12 : memref<64x128xf32, #tpu.memory_space<vmem>>) target(%dma_start3A_541 : memref<10240x128xf32, #tpu.memory_space<vmem_shared>>) offsets(%dma_start3A_538 : memref<64xi32, #tpu.memory_space<vmem>>) semaphore(%run_scoped3A : memref<!tpu.dma_semaphore, #tpu.memory_space<semaphore_mem>>) {add = true}
        %dma_wait3A_542 = arith.constant 0 : i32
        %dma_wait3A_543 = tpu.memref_slice %arg8[%select_n3A_525, %dma_wait3A_542] : memref<16x64xi32, #tpu.memory_space<vmem>> -> memref<1x64xi32, #tpu.memory_space<vmem>>
        %dma_wait3A_544 = tpu.memref_squeeze %dma_wait3A_543 : memref<1x64xi32, #tpu.memory_space<vmem>> -> memref<64xi32, #tpu.memory_space<vmem>>
        %dma_wait3A_545 = arith.constant 0 : i32
        %dma_wait3A_546 = arith.constant 0 : i32
        %dma_wait3A_547 = tpu.memref_slice %arg6[%dma_wait3A_545, %dma_wait3A_546] : memref<10240x128xf32, #tpu.memory_space<vmem_shared>> -> memref<10240x128xf32, #tpu.memory_space<vmem_shared>>
        tpu.wait_indirect_dma semaphore(%run_scoped3A : memref<!tpu.dma_semaphore, #tpu.memory_space<semaphore_mem>>) src(%arg12 : memref<64x128xf32, #tpu.memory_space<vmem>>) dst(%dma_wait3A_547 : memref<10240x128xf32, #tpu.memory_space<vmem_shared>>)
        tpu.yield
      }) : () -> ()
      %eq3A_526 = arith.constant 7 : i32
      %eq3A_527 = arith.cmpi eq, %select_n3A_470, %eq3A_526 : i32
      %add3A_528 = arith.constant 2 : i32
      %add3A_529 = arith.addi %select_n3A_454, %add3A_528 : i32
      %lt3A_530 = arith.constant 20 : i32
      %lt3A_531 = arith.cmpi slt, %add3A_529, %lt3A_530 : i32
      %and3A_532 = arith.andi %eq3A_527, %lt3A_531 : i1
      %convert_element_type3A_533 = arith.extui %and3A_532 : i1 to i32
      %cond3A_534 = arith.constant 0 : i32
      %cond3A_535 = arith.cmpi ne, %convert_element_type3A_533, %cond3A_534 : i32
      scf.if %cond3A_535 {
        %add3A_536 = arith.constant 2 : i32
        %add3A_537 = arith.addi %select_n3A_454, %add3A_536 : i32
        %jit3A_538 = arith.constant 2 : i32
        %eq3A_539 = arith.constant 0 : i32
        %eq3A_540 = arith.cmpi eq, %jit3A_538, %eq3A_539 : i32
        %jit3A_541 = arith.constant 1 : i32
        %select_n3A_542 = arith.select %eq3A_540, %jit3A_541, %jit3A_538 : i32
        %rem3A_543 = arith.remsi %add3A_537, %select_n3A_542 : i32
        %ne3A_544 = arith.constant 0 : i32
        %ne3A_545 = arith.cmpi ne, %rem3A_543, %ne3A_544 : i32
        %lt3A_546 = arith.constant 0 : i32
        %lt3A_547 = arith.cmpi slt, %rem3A_543, %lt3A_546 : i32
        %lt3A_548 = arith.constant 0 : i32
        %lt3A_549 = arith.cmpi slt, %select_n3A_542, %lt3A_548 : i32
        %ne3A_550 = arith.xori %lt3A_547, %lt3A_549 : i1
        %and3A_551 = arith.andi %ne3A_550, %ne3A_545 : i1
        %add3A_552 = arith.addi %rem3A_543, %select_n3A_542 : i32
        %select_n3A_553 = arith.select %and3A_551, %add3A_552, %rem3A_543 : i32
        %mul3A_554 = arith.constant 8 : i32
        %mul3A_555 = arith.muli %select_n3A_553, %mul3A_554 : i32
        %multiple_of3A_556 = tpu.assume_multiple %mul3A_555, 8 : i32
        %add3A_557 = arith.addi %mul3A_2, %add3A_537 : i32
        %mul3A_558 = arith.constant 8 : i32
        %mul3A_559 = arith.muli %add3A_557, %mul3A_558 : i32
        %multiple_of3A_560 = tpu.assume_multiple %mul3A_559, 8 : i32
        %dma_start3A_561 = arith.constant 0 : i32
        %dma_start3A_562 = tpu.memref_slice %arg7[%multiple_of3A_556, %dma_start3A_561] : memref<16x64xi32, #tpu.memory_space<vmem>> -> memref<8x64xi32, #tpu.memory_space<vmem>>
        %dma_start3A_563 = arith.constant 0 : i32
        %dma_start3A_564 = tpu.memref_slice %arg3[%multiple_of3A_560, %dma_start3A_563] : memref<5120x64xi32, #tpu.memory_space<hbm>> -> memref<8x64xi32, #tpu.memory_space<hbm>>
        %dma_start3A_565 = arith.constant 0 : i32
        %dma_start3A_566 = tpu.memref_slice %arg7[%multiple_of3A_556, %dma_start3A_565] : memref<16x64xi32, #tpu.memory_space<vmem>> -> memref<8x64xi32, #tpu.memory_space<vmem>>
        %dma_start3A_567 = arith.constant 0 : i32
        %dma_start3A_568 = tpu.memref_slice %arg3[%multiple_of3A_560, %dma_start3A_567] : memref<5120x64xi32, #tpu.memory_space<hbm>> -> memref<8x64xi32, #tpu.memory_space<hbm>>
        tpu.enqueue_dma source(%dma_start3A_568 : memref<8x64xi32, #tpu.memory_space<hbm>>) target(%dma_start3A_566 : memref<8x64xi32, #tpu.memory_space<vmem>>) target_semaphore(%arg13 : memref<!tpu.dma_semaphore, #tpu.memory_space<semaphore_mem>>)
        %dma_start3A_569 = arith.constant 0 : i32
        %dma_start3A_570 = tpu.memref_slice %arg8[%multiple_of3A_556, %dma_start3A_569] : memref<16x64xi32, #tpu.memory_space<vmem>> -> memref<8x64xi32, #tpu.memory_space<vmem>>
        %dma_start3A_571 = arith.constant 0 : i32
        %dma_start3A_572 = tpu.memref_slice %arg4[%multiple_of3A_560, %dma_start3A_571] : memref<5120x64xi32, #tpu.memory_space<hbm>> -> memref<8x64xi32, #tpu.memory_space<hbm>>
        %dma_start3A_573 = arith.constant 0 : i32
        %dma_start3A_574 = tpu.memref_slice %arg8[%multiple_of3A_556, %dma_start3A_573] : memref<16x64xi32, #tpu.memory_space<vmem>> -> memref<8x64xi32, #tpu.memory_space<vmem>>
        %dma_start3A_575 = arith.constant 0 : i32
        %dma_start3A_576 = tpu.memref_slice %arg4[%multiple_of3A_560, %dma_start3A_575] : memref<5120x64xi32, #tpu.memory_space<hbm>> -> memref<8x64xi32, #tpu.memory_space<hbm>>
        tpu.enqueue_dma source(%dma_start3A_576 : memref<8x64xi32, #tpu.memory_space<hbm>>) target(%dma_start3A_574 : memref<8x64xi32, #tpu.memory_space<vmem>>) target_semaphore(%arg13 : memref<!tpu.dma_semaphore, #tpu.memory_space<semaphore_mem>>)
      } else {
      }
    }
    %scan3A_109 = arith.constant 40 : i32
    %barrier3A_110 = arith.constant 0 : index
    tpu.barrier barrier_id(%barrier3A_110)
    "tpu.region"() ({
      %run_scoped3A = tpu.sem_alloc : memref<!tpu.dma_semaphore, #tpu.memory_space<semaphore_mem>>
      %dma_start3A_111 = arith.constant 0 : i32
      %dma_start3A_112 = tpu.memref_slice %arg5[%arg0, %mul3A_31, %dma_start3A_111] : memref<2x10240x128xf32, #tpu.memory_space<hbm>> -> memref<1x640x128xf32, #tpu.memory_space<hbm>>
      %dma_start3A_113 = tpu.memref_squeeze %dma_start3A_112 : memref<1x640x128xf32, #tpu.memory_space<hbm>> -> memref<640x128xf32, #tpu.memory_space<hbm>>
      %dma_start3A_114 = arith.constant 0 : i32
      %dma_start3A_115 = tpu.memref_slice %arg6[%mul3A_31, %dma_start3A_114] : memref<10240x128xf32, #tpu.memory_space<vmem_shared>> -> memref<640x128xf32, #tpu.memory_space<vmem_shared>>
      tpu.enqueue_dma source(%dma_start3A_115 : memref<640x128xf32, #tpu.memory_space<vmem_shared>>) target(%dma_start3A_113 : memref<640x128xf32, #tpu.memory_space<hbm>>) target_semaphore(%run_scoped3A : memref<!tpu.dma_semaphore, #tpu.memory_space<semaphore_mem>>)
      %dma_wait3A_116 = arith.constant 0 : i32
      %dma_wait3A_117 = tpu.memref_slice %arg5[%arg0, %mul3A_31, %dma_wait3A_116] : memref<2x10240x128xf32, #tpu.memory_space<hbm>> -> memref<1x640x128xf32, #tpu.memory_space<hbm>>
      %dma_wait3A_118 = tpu.memref_squeeze %dma_wait3A_117 : memref<1x640x128xf32, #tpu.memory_space<hbm>> -> memref<640x128xf32, #tpu.memory_space<hbm>>
      %dma_wait3A_119 = arith.constant 0 : i32
      %dma_wait3A_120 = tpu.memref_slice %arg6[%mul3A_31, %dma_wait3A_119] : memref<10240x128xf32, #tpu.memory_space<vmem_shared>> -> memref<640x128xf32, #tpu.memory_space<vmem_shared>>
      tpu.wait_dma2 semaphore(%run_scoped3A : memref<!tpu.dma_semaphore, #tpu.memory_space<semaphore_mem>>) src(%dma_wait3A_120 : memref<640x128xf32, #tpu.memory_space<vmem_shared>>) dst(%dma_wait3A_118 : memref<640x128xf32, #tpu.memory_space<hbm>>)
      tpu.yield
    }) : () -> ()
    return
  }
}

module attributes {stable_mosaic.version = 14 : i64} {
  func.func @body(%arg0: i32, %arg1: memref<1024x128xf32, #tpu.memory_space<vmem>>, %arg2: memref<1024x128xf32, #tpu.memory_space<vmem>>, %arg3: memref<128x128xf32, #tpu.memory_space<vmem>>, %arg4: memref<1x128xf32, #tpu.memory_space<vmem>>, %arg5: memref<1024x128xf32, #tpu.memory_space<vmem>>) attributes {dimension_semantics = [#tpu.dimension_semantics<arbitrary>], iteration_bounds = array<i64: 10>, scalar_prefetch = 0 : i64, scratch_operands = 0 : i64, tpu.core_type = #tpu.core_type<tc>, window_params = [{transform_indices = @transform_0, window_bounds = array<i64: 1024, 128>}, {transform_indices = @transform_1, window_bounds = array<i64: 1024, 128>}, {pipeline_mode = #tpu.pipeline_mode<synchronous>, transform_indices = @transform_2, window_bounds = array<i64: 128, 128>}, {pipeline_mode = #tpu.pipeline_mode<synchronous>, transform_indices = @transform_3, window_bounds = array<i64: 1, 128>}, {transform_indices = @transform_4, window_bounds = array<i64: 1024, 128>}]} {
    %get3A = arith.constant 0 : index
    %get3A_0 = arith.constant 0 : index
    %get3A_1 = vector.load %arg1[%get3A, %get3A_0] : memref<1024x128xf32, #tpu.memory_space<vmem>>, vector<1024x128xf32>
    %get3A_2 = arith.constant 0 : index
    %get3A_3 = arith.constant 0 : index
    %get3A_4 = vector.load %arg2[%get3A_2, %get3A_3] : memref<1024x128xf32, #tpu.memory_space<vmem>>, vector<1024x128xf32>
    %add3A = arith.addf %get3A_1, %get3A_4 : vector<1024x128xf32>
    %get3A_5 = arith.constant 0 : index
    %get3A_6 = arith.constant 0 : index
    %get3A_7 = vector.load %arg3[%get3A_5, %get3A_6] : memref<128x128xf32, #tpu.memory_space<vmem>>, vector<128x128xf32>
    %dot_general3A = arith.constant dense<0.000000e+00> : vector<1024x128xf32>
    %dot_general3A_8 = tpu.matmul %add3A, %get3A_7, %dot_general3A {dimension_numbers = #tpu.dot_dimension_numbers<[1], [0], [0], [1], [0, 0, 1, 1], [], []>, transpose_lhs_hint = false} : vector<1024x128xf32>, vector<128x128xf32>, vector<1024x128xf32> -> vector<1024x128xf32>
    %get3A_9 = arith.constant 0 : index
    %get3A_10 = arith.constant 0 : index
    %get3A_11 = vector.load %arg4[%get3A_9, %get3A_10] : memref<1x128xf32, #tpu.memory_space<vmem>>, vector<1x128xf32>
    %add3A_12 = vector.broadcast %get3A_11 : vector<1x128xf32> to vector<1024x128xf32>
    %add3A_13 = arith.addf %dot_general3A_8, %add3A_12 : vector<1024x128xf32>
    %max3A = arith.constant 0.000000e+00 : f32
    %max3A_14 = vector.broadcast %max3A : f32 to vector<1024x128xf32>
    %max3A_15 = arith.maximumf %add3A_13, %max3A_14 : vector<1024x128xf32>
    %swap3A = arith.constant 0 : index
    %swap3A_16 = arith.constant 0 : index
    %swap3A_17 = vector.load %arg5[%swap3A, %swap3A_16] : memref<1024x128xf32, #tpu.memory_space<vmem>>, vector<1024x128xf32>
    tpu.vector_store %arg5[%swap3A, %swap3A_16], %max3A_15 {strides = array<i32>} : memref<1024x128xf32, #tpu.memory_space<vmem>>, vector<1024x128xf32>,
    return
  }
  func.func @transform_0(%arg0: i32) -> (i32, i32) {
    %c0_i32 = arith.constant 0 : i32
    %c0_i32_0 = arith.constant 0 : i32
    return %arg0, %c0_i32 : i32, i32
  }
  func.func @transform_1(%arg0: i32) -> (i32, i32) {
    %c0_i32 = arith.constant 0 : i32
    %c0_i32_0 = arith.constant 0 : i32
    return %arg0, %c0_i32 : i32, i32
  }
  func.func @transform_2(%arg0: i32) -> (i32, i32) {
    %c0_i32 = arith.constant 0 : i32
    %c0_i32_0 = arith.constant 0 : i32
    %c0_i32_1 = arith.constant 0 : i32
    return %c0_i32, %c0_i32_0 : i32, i32
  }
  func.func @transform_3(%arg0: i32) -> (i32, i32) {
    %c0_i32 = arith.constant 0 : i32
    %c0_i32_0 = arith.constant 0 : i32
    %c0_i32_1 = arith.constant 0 : i32
    return %c0_i32, %c0_i32_0 : i32, i32
  }
  func.func @transform_4(%arg0: i32) -> (i32, i32) {
    %c0_i32 = arith.constant 0 : i32
    %c0_i32_0 = arith.constant 0 : i32
    return %arg0, %c0_i32 : i32, i32
  }
}

</mosaic_0001>

<sc_bundles>
// kernel: kernel.4.cloned.1.call-start
scs
__scs_entry_jumppad:
0x0: {  	(pc) =	sbr.rel $0x88, $3  }
0x1: {  	(tag) =	ssettag $0x0;
	lr =	simm.s32 $0x1  }
0x2: {  	[smem:$0x3F9D] =	sst lr;
	_ =	strace $0xD0000000  }
0x3: {  	_ = 	snop  }
0x4: {  	_ = 	snop  }
0x5: {  	_ = 	snop  }
0x6: {  	_ = 	snop  }
0x7: {  	_ = 	snop  }
__scs_overlays_trampoline_lowered:
0x8: {  	[smem:$0x3FAC] =	sst s0  }
0x9: {  	[smem:$0x3FAD] =	sst s1  }
0xa: {  	[smem:$0x3FAE] =	sst s2  }
0xb: {  	[smem:$0x3FAF] =	sst s3  }
0xc: {  	[smem:$0x3FB0] =	sst s4  }
0xd: {  	[smem:$0x3FB1] =	sst s5  }
0xe: {  	[smem:$0x3FB2] =	sst s6  }
0xf: {  	[smem:$0x3FB3] =	sst s7  }
0x10: {  	[smem:$0x3FB4] =	sst s8  }
0x11: {  	[smem:$0x3FB5] =	sst s9;
	s0 =	simm.s32 @!p0 $0x0  }
0x12: {  	s1 =	sld [smem:$0x3F9B];
	s0 =	simm.s32 @p0 $0x1  }
0x13: {  	[smem:$0x3FB6] =	sst s0;
	s0 =	simm.s32 @!p1 $0x0  }
0x14: {  	s2 =	sld [smem:$0x3F9A];
	s0 =	simm.s32 @p1 $0x1  }
0x15: {  	[smem:$0x3FB7] =	sst s0;
	s0 =	simm.s32 @!p2 $0x0  }
0x16: {  	s3 =	sld [smem:$0x3FDB];
	s0 =	simm.s32 @p2 $0x1  }
0x17: {  	s4 =	simm.s32 $0x1BF5;
	[smem:$0x3FB9] =	sst s0  }
0x18: {  	s0 =	sld [smem:$0x3F9C];
	_ =	swait.ge [sflag:s4], $0x0  }
0x19: {  	s7 =	sld [smem:$0x3F9D]  }
0x1a: {  	s8 =	sadd.s32 $0xFFFFE003, lr  }
0x1b: {  	s9 =	sadd.s32 $0xFFFFFEF7, lr;
	s5 =	simm.s32 $0xFFFFFFFF;
	p2 =	slt.u32 s8, $0xFFFFF086  }
0x1c: {  	p1 =	slt.u32 s9, $0xF7A;
	s5 =	simm.s32 @!p2 $0x0  }
0x1d: {  	s5 =	simm.s32 @p1 $0x1;
	p0 =	seq.s32 s7, s2  }
0x1e: {  	s7 =	smul.u32 @!p0 $0xF7A, s2;
	p2 =	seq.s32 @!p0 s5, $0x0  }
0x1f: {  	s9 =	smul.u32 $0xF7A, s1;
	s8 =	simm.s32 @!p0 $0x1BF5;
	p2 =	por !p2, p0  }
0x20: {  	[sflag:s8] =	ssyncset.s32 @!p0 $0xFFFFF086;
	s6 =	sadd.s32 @!p0 s3, s7;
	s7 =	simm.s32 @!p0 $0x108  }
0x21: {  	s3 =	sadd.s32 s3, s9;
	s6 =	sadd.s32 @!p0 $0x88, s6;
	s7 =	simm.s32 @p2 $0x1082  }
0x22: {  	[simem:s7], [sflag:s8] =	dma.local @!p0 [hbm:s6], $0xF7A  }
0x23: {  	s9 =	sor.u32 $0xD0000000, s2;
	s6 =	simm.s32 $0x108;
	_ =	swait.ge @!p0 [sflag:s8], $0x0  }
0x24: {  	s3 =	sadd.s32 $0x88, s3;
	s6 =	simm.s32 @!p1 $0x1082;
	[sflag:s4] =	ssyncset.s32 $0xFFFFF086  }
0x25: {  	[simem:s6], [sflag:s4] =	dma.local [hbm:s3], $0xF7A  }
0x26: {  	[smem:$0x3F9D] =	sst s1;
	(tag) =	ssettag s2;
	_ =	strace s9  }
0x27: {  	s1 =	sld [smem:$0x3FAD]  }
0x28: {  	s2 =	sld [smem:$0x3FAE]  }
0x29: {  	s4 =	sld [smem:$0x3FB0]  }
0x2a: {  	p0 =	seq.s32 s5, $0x0;
	s5 =	sld [smem:$0x3FB1]  }
0x2b: {  	s6 =	sld [smem:$0x3FB2]  }
0x2c: {  	s7 =	sld [smem:$0x3FB3]  }
0x2d: {  	s3 =	simm.s32 $0x108;
	s8 =	sld [smem:$0x3FB4]  }
0x2e: {  	s3 =	simm.s32 @!p0 $0x1082;
	s9 =	sld [smem:$0x3FB5]  }
0x2f: {  	lr =	sadd.s32 s0, s3;
	s0 =	sld [smem:$0x3FAC]  }
0x30: {  	s3 =	sld [smem:$0x3FAF]  }
0x31: {  	[smem:$0x3FB8] =	sst s10  }
0x32: {  	s10 =	sld [smem:$0x3FB6];
	_ =	sdelay $0x3  }
0x33: {  	p0 =	seq.s32 s10, $0x1;
	s10 =	sld [smem:$0x3FB8];
	_ =	sdelay $0x3  }
0x34: {  	[smem:$0x3FB8] =	sst s10  }
0x35: {  	s10 =	sld [smem:$0x3FB7];
	_ =	sdelay $0x3  }
0x36: {  	p1 =	seq.s32 s10, $0x1;
	s10 =	sld [smem:$0x3FB8];
	_ =	sdelay $0x3  }
0x37: {  	[smem:$0x3FB8] =	sst s10  }
0x38: {  	s10 =	sld [smem:$0x3FB9]  }
0x39: {  	_ = 	snop;
	(pc) =	sbr.ind lr, $3  }
0x3a: {  	_ = 	snop  }
0x3b: {  	_ = 	snop  }
0x3c: {  	p2 =	seq.s32 s10, $0x1;
	s10 =	sld [smem:$0x3FB8]  }
0x3d: {  	_ =	shalt  }
0x3e: {  	_ =	shalt  }
0x3f: {  	_ =	shalt  }
0x40: {  	_ =	shalt  }
0x41: {  	_ =	shalt  }
0x42: {  	_ =	shalt  }
0x43: {  	_ =	shalt  }
0x44: {  	_ =	shalt  }
0x45: {  	_ =	shalt  }
0x46: {  	_ =	shalt  }
0x47: {  	_ =	shalt  }
0x48: {  	_ =	shalt  }
0x49: {  	_ =	shalt  }
0x4a: {  	_ =	shalt  }
0x4b: {  	_ =	shalt  }
0x4c: {  	_ =	shalt  }
0x4d: {  	_ =	shalt  }
0x4e: {  	_ =	shalt  }
0x4f: {  	_ =	shalt  }
0x50: {  	_ =	shalt  }
0x51: {  	_ =	shalt  }
0x52: {  	_ =	shalt  }
0x53: {  	_ =	shalt  }
0x54: {  	_ =	shalt  }
0x55: {  	_ =	shalt  }
0x56: {  	_ =	shalt  }
0x57: {  	_ =	shalt  }
0x58: {  	_ =	shalt  }
0x59: {  	_ =	shalt  }
0x5a: {  	_ =	shalt  }
0x5b: {  	_ =	shalt  }
0x5c: {  	_ =	shalt  }
0x5d: {  	_ =	shalt  }
0x5e: {  	_ =	shalt  }
0x5f: {  	_ =	shalt  }
0x60: {  	_ =	shalt  }
0x61: {  	_ =	shalt  }
0x62: {  	_ =	shalt  }
0x63: {  	_ =	shalt  }
0x64: {  	_ =	shalt  }
0x65: {  	_ =	shalt  }
0x66: {  	_ =	shalt  }
0x67: {  	_ =	shalt  }
0x68: {  	_ =	shalt  }
0x69: {  	_ =	shalt  }
0x6a: {  	_ =	shalt  }
0x6b: {  	_ =	shalt  }
0x6c: {  	_ =	shalt  }
0x6d: {  	_ =	shalt  }
0x6e: {  	_ =	shalt  }
0x6f: {  	_ =	shalt  }
0x70: {  	_ =	shalt  }
0x71: {  	_ =	shalt  }
0x72: {  	_ =	shalt  }
0x73: {  	_ =	shalt  }
0x74: {  	_ =	shalt  }
0x75: {  	_ =	shalt  }
0x76: {  	_ =	shalt  }
0x77: {  	_ =	shalt  }
0x78: {  	_ =	shalt  }
0x79: {  	_ =	shalt  }
0x7a: {  	_ =	shalt  }
0x7b: {  	_ =	shalt  }
0x7c: {  	_ =	shalt  }
0x7d: {  	_ =	shalt  }
0x7e: {  	_ =	shalt  }
0x7f: {  	_ =	shalt  }
0x80: {  	_ =	shalt  }
0x81: {  	_ =	shalt  }
0x82: {  	_ =	shalt  }
0x83: {  	_ =	shalt  }
0x84: {  	_ =	shalt  }
0x85: {  	_ =	shalt  }
0x86: {  	_ =	shalt  }
0x87: {  	_ =	shalt  }
.Lfunc_end0:
.L_simem_size_0:
called_computation_lowered:
.L_overlay_start_0:
0x88: {  	s2 =	sld [smem:$0x3FD9]  }
0x89: {  	s3 =	sld [smem:$0x3FFE];
	_ =	sdelay $0x1  }
0x8a: {  	s1 =	srdreg.scid  }
0x8b: {  	s0 =	sand.u32 $0x1, s1  }
0x8c: {  	s17 =	sshll.u32 s0, $0xA;
	s2 =	sadd.s32 s3, s2  }
0x8d: {  	s2 =	sadd.s32 s2, s17  }
0x8e: {  	[smem:$0x3FC4] =	sst s2  }
0x8f: {  	_ = 	snop  }
0x90: {  	s2 =	sld [smem:$0x3FC9]  }
0x91: {  	s18 =	sld [smem:$0x3FD0];
	(tm) =	ssettm $0x1  }
0x92: {  	s4 =	sld [smem:$0x3FFB];
	_ =	sdelay $0x3  }
0x93: {  	_ =	strace s4  }
0x94: {  	s4 =	sld [smem:$0x3FFC];
	_ =	sdelay $0x3  }
0x95: {  	_ =	strace s4  }
0x96: {  	s4 =	sld [smem:$0x3FFD];
	_ =	sdelay $0x3  }
0x97: {  	_ =	strace s4  }
0x98: {  	_ =	strace $0x8FFFFFFF  }
0x99: {  	s19 =	sld [smem:$0x3FDB];
	_ =	sdelay $0x1  }
0x9a: {  	s5 =	simm.s32 $_scs_section_size  }
0x9b: {  	s6 =	simm.s32 $_size__tile_overlayer_lowered;
	s7 =	simm.s32 $_tile_overlayer_lowered  }
0x9c: {  	s22 =	simm.s32 $0x1BFF;
	s21 =	sshll.u32 s7, $0x1;
	s4 =	sadd.s32 s5, s19  }
0x9d: {  	s8 =	simm.s32 $0x0;
	s20 =	sshll.u32 s6, $0x1;
	s6 =	sadd.s32 s21, s4  }
0x9e: {  	[timem:s8], [sflag:s22] =	dma.local [hbm:s6], s20  }
0x9f: {  	_ =	swait.ge [sflag:s22], s20  }
0xa0: {  	s5 =	ssub.s32 $0x0, s20;
	[sflag:s22] =	ssyncset.done $0x0  }
0xa1: {  	[sflag:s22] =	ssyncadd.s32 s5;
	_ =	sdelay $0x1  }
0xa2: {  	s23 =	simm.s32 $0x1B8B  }
0xa3: {  	_ =	swait.ge [sflag:s23], $0x1  }
0xa4: {  	[sflag:s23] =	ssyncset.done $0x0  }
0xa5: {  	s25 =	simm.s32 $0x1B8E;
	s24 =	sld [smem:$0x3FFE];
	[sflag:s23] =	ssyncadd.s32 $0xFFFFFFFF  }
0xa6: {  	s26 =	simm.s32 $execute0_lowered;
	[smem:$0x3FD2] =	sst s25  }
0xa7: {  	s6 =	sshll.u32 s26, $0x1;
	_ =	strace $0x80000046;
	[dreg:$0x1] =	wrdreg $0xFFFFFFFF  }
0xa8: {  	s28 =	simm.s32 $_size_execute0_lowered;
	s4 =	sadd.s32 s4, s6;
	[dreg:$0x0] =	wrdreg $0x0  }
0xa9: {  	s6 =	sshll.u32 s28, $0x1;
	[dreg:$0x2] =	wrdreg s4  }
0xaa: {  	[dreg:$0x3] =	wrdreg s6  }
0xab: {  	[dreg:$0x4] =	wrdreg $0xC0  }
0xac: {  	_ =	task [dreg:s8], $0x5FFFF  }
0xad: {  	[dreg:$0x1] =	wrdreg $0xFFFFFFFF  }
0xae: {  	[dreg:$0x0] =	wrdreg $0x60  }
0xaf: {  	[dreg:$0x2] =	wrdreg s2  }
0xb0: {  	[dreg:$0x3] =	wrdreg s18  }
0xb1: {  	[dreg:$0x4] =	wrdreg s24  }
0xb2: {  	[dreg:$0x5] =	wrdreg $0x0  }
0xb3: {  	[dreg:$0x6] =	wrdreg $0x9  }
0xb4: {  	_ =	task.clear_ibuf [dreg:s8], $0x7FFFF;
	_ =	strace $0x90000046  }
0xb5: {  	s29 =	simm.s32 $0x9;
	_ =	strace $0x80000048  }
0xb6: {  	_ =	swait.ge [sflag:s29], $0x1  }
0xb7: {  	[sflag:s29] =	ssyncadd.s32 $0xFFFFFFFF  }
0xb8: {  	_ =	strace $0x90000048  }
0xb9: {  	_ =	sfence  }
0xba: {  	s30 =	sld [smem:$0x0];
	_ =	sdelay $0x2  }
0xbb: {  	s31 =	sshll.u32 s1, $0xD;
	s1 =	sshrl.u32 s1, $0x2  }
0xbc: {  	s3 =	sand.u32 $0x4000, s31;
	s1 =	sadd.s32 s1, s30  }
0xbd: {  	s0 =	sor.u32 s3, s0;
	s1 =	sshll.u32 s1, $0x11  }
0xbe: {  	s0 =	sor.u32 s1, s0  }
0xbf: {  	s0 =	sadd.s32 $0x8F2B, s0  }
0xc0: {  	[sflag:s0] =	ssyncadd.remote.s32 $0x1  }
0xc1: {  	_ =	sfence.sel $0xFFFF  }
0xc2: {  	[dreg:$0x0] =	wrdreg $0xFFFFFFFF;
	(pc) =	sbr.abs _section_cstart, $3  }
0xc3: {  	[dreg:$0x1] =	wrdreg $0xFFFFFFFF  }
0xc4: {  	_ =	task.clear_ibuf [dreg:s8], $0x2FFFF;
	_ =	strace $0x9FFFFFFF  }
0xc5: {  	(tm) =	ssettm $0x7FFFFFFF  }
tec
execute0_lowered:
.L_overlay_start_1:
0x0: {  	(tag) =	ssettag $0x1  }
0x1: {  	s1 =	rddreg [dreg:$0x0]  }
0x2: {  	s2 =	rddreg [dreg:$0x1]  }
0x3: {  	s0 =	rddreg [dreg:$0x2]  }
0x4: {  	s3 =	rddreg [dreg:$0x3]  }
0x5: {  	s4 =	srdreg.scid;
	s6 =	simm.s32 $0x0;
	s9 =	stileid.u32  }
0x6: {  	s4 =	sand.u32 $0x1, s4;
	s7 =	smul.u32 $0x14000, s9;
	s8 =	sshll.u32 s9, $0x1  }
0x7: {  	s28 =	simm.s32 $0x1;
	s9 =	smul.u32 $0x50000, s9;
	s26 =	sor.u32 s4, s8  }
0x8: {  	[smem:$0x7FF] =	sst s6;
	s6 =	sadd.s32 $0x400, s0;
	s8 =	smul.u32 $0xA00, s26  }
0x9: {  	s5 =	smul.u32 $0x140000, s4;
	_ =	strace $0x80000047;
	s4 =	ssub.s32 $0x2, s4  }
0xa: {  	s10 =	sshrl.u32 s4, $0x1;
	s14 =	sshrl.u32 s9, $0x2;
	s12 =	sadd.s32 s2, s8  }
0xb: {  	s4 =	ssub.s32 s4, s10;
	s13 =	sadd.s32 s6, s8;
	[dreg:$0x6] =	wrdreg s12  }
0xc: {  	s9 =	sadd.s32 s14, s3;
	s17 =	smax.u32 s4, $0x1;
	[dreg:$0x7] =	wrdreg s13  }
0xd: {  	s29 =	simm.s32 $0x40;
	s18 =	sadd.s32 $0x2000, s9;
	[dreg:$0xb] =	wrdreg s17  }
0xe: {  	s30 =	simm.s32 $0x2;
	s19 =	sadd.s32 $0x4000, s9;
	[dreg:$0xc] =	wrdreg s18  }
0xf: {  	s31 =	simm.s32 $0x4;
	s20 =	sadd.s32 $0x6000, s9;
	[dreg:$0xd] =	wrdreg s19  }
0x10: {  	s11 =	smul.u32 $0x14, s26;
	s21 =	sadd.s32 $0x8000, s9;
	[dreg:$0xe] =	wrdreg s20  }
0x11: {  	s5 =	sadd.s32 s7, s5;
	s22 =	sadd.s32 $0xA000, s9;
	[dreg:$0xf] =	wrdreg s21  }
0x12: {  	s10 =	simm.s32 $0x14000;
	s23 =	sadd.s32 $0xC000, s9;
	[dreg:$0x10] =	wrdreg s22  }
0x13: {  	s5 =	sshrl.u32 s5, $0x3;
	s24 =	sadd.s32 $0xE000, s9;
	[dreg:$0x11] =	wrdreg s23  }
0x14: {  	s8 =	sor.u32 $0x80, s8;
	s25 =	sadd.s32 $0x10000, s9;
	[dreg:$0x12] =	wrdreg s24  }
0x15: {  	s26 =	sadd.s32 $0x12000, s9;
	s4 =	simm.s32 $0x5;
	[dreg:$0x13] =	wrdreg s25  }
0x16: {  	s0 =	sadd.s32 s5, s0;
	s15 =	sadd.s32 s2, s8;
	[dreg:$0x14] =	wrdreg s26  }
0x17: {  	s5 =	sor.u32 $0x2, s11;
	s16 =	sadd.s32 s6, s8;
	[dreg:$0x8] =	wrdreg s15  }
0x18: {  	s25 =	simm.s32 $0x15000;
	s26 =	simm.s32 $0x6;
	[dreg:$0x9] =	wrdreg s16  }
0x19: {  	s24 =	simm.s32 $0x19000;
	[dreg:$0x5] =	wrdreg s5;
	s0 =	sadd.s32 $0x14400, s0  }
0x1a: {  	v0 =	vimm.f32 $0.0e+00;
	s5 =	simm.s32 $0x0;
	[dreg:$0xa] =	wrdreg s0;
	s0 =	simm.s32 $0x1B000  }
.LBB2_1:
0x1b: {  	s7 =	simm.s32 $0x0;
	s8 =	rddreg [dreg:$0x6]  }
0x1c: {  	[tilespmem:s10], [sflag:$0x1] =	stream.linear.gather [hbm4b:s8+s7], $0x400, $0x38;
	[tilespmem:$0x1D000] =	vst v63  }
0x1d: {  	s23 =	rddreg [dreg:$0x7];
	s11 =	simm.s32 $0x14800  }
0x1e: {  	[tilespmem:s11], [sflag:$0x1] =	stream.linear.gather [hbm4b:s23+s7], $0x400, $0x38;
	[tilespmem:$0x1D000] =	vst v63  }
0x1f: {  	s8 =	simm.s32 $0x200;
	s7 =	simm.s32 $0x0  }
.LBB2_2:
0x20: {  	p0 =	sne.s32 s8, $0x7E00;
	[tilespmem:s7+$0x15070] =	vst v0  }
0x21: {  	[tilespmem:s7+$0x15000] =	vst v0  }
0x22: {  	[tilespmem:s7+$0x15010] =	vst v0  }
.Ltmp0:
0x23: {  	[tilespmem:s7+$0x15020] =	vst v0;
	(pc) =	sbr.rel @p0 .LBB2_2-.Ltmp0, $4  }
0x24: {  	[tilespmem:s7+$0x15030] =	vst v0  }
0x25: {  	[tilespmem:s7+$0x15040] =	vst v0  }
0x26: {  	[tilespmem:s7+$0x15050] =	vst v0  }
0x27: {  	[tilespmem:s7+$0x15060] =	vst v0;
	s7 =	sshra.s32 s8, $0x2;
	s8 =	sadd.s32 $0x200, s8  }
0x28: {  	[tilespmem:s7+$0x15070] =	vst v0  }
0x29: {  	[tilespmem:s7+$0x15000] =	vst v0  }
0x2a: {  	[tilespmem:s7+$0x15010] =	vst v0  }
0x2b: {  	[tilespmem:s7+$0x15020] =	vst v0  }
0x2c: {  	[tilespmem:s7+$0x15030] =	vst v0  }
0x2d: {  	[tilespmem:s7+$0x15040] =	vst v0  }
0x2e: {  	[tilespmem:s7+$0x15050] =	vst v0  }
0x2f: {  	[tilespmem:s7+$0x15060] =	vst v0  }
0x30: {  	[spmem:s9] =	stream.linear.scatter [tilespmem:s25], [sflag:$0x6], $0x2000, $0x38;
	[tilespmem:$0x1D000] =	vst v63  }
0x31: {  	_ =	swait.ge [sflag:s26], $0x2000  }
0x32: {  	[sflag:s26] =	ssyncset.done $0x0  }
0x33: {  	s16 =	rddreg [dreg:$0xc];
	[sflag:s26] =	ssyncadd.s32 $0xFFFFE000  }
0x34: {  	[spmem:s16] =	stream.linear.scatter [tilespmem:s25], [sflag:$0x6], $0x2000, $0x38;
	[tilespmem:$0x1D000] =	vst v63  }
0x35: {  	_ =	swait.ge [sflag:s26], $0x2000  }
0x36: {  	[sflag:s26] =	ssyncset.done $0x0  }
0x37: {  	s17 =	rddreg [dreg:$0xd];
	[sflag:s26] =	ssyncadd.s32 $0xFFFFE000  }
0x38: {  	[spmem:s17] =	stream.linear.scatter [tilespmem:s25], [sflag:$0x6], $0x2000, $0x38;
	[tilespmem:$0x1D000] =	vst v63  }
0x39: {  	_ =	swait.ge [sflag:s26], $0x2000  }
0x3a: {  	[sflag:s26] =	ssyncset.done $0x0  }
0x3b: {  	s18 =	rddreg [dreg:$0xe];
	[sflag:s26] =	ssyncadd.s32 $0xFFFFE000  }
0x3c: {  	[spmem:s18] =	stream.linear.scatter [tilespmem:s25], [sflag:$0x6], $0x2000, $0x38;
	[tilespmem:$0x1D000] =	vst v63  }
0x3d: {  	_ =	swait.ge [sflag:s26], $0x2000  }
0x3e: {  	[sflag:s26] =	ssyncset.done $0x0  }
0x3f: {  	s19 =	rddreg [dreg:$0xf];
	[sflag:s26] =	ssyncadd.s32 $0xFFFFE000  }
0x40: {  	[spmem:s19] =	stream.linear.scatter [tilespmem:s25], [sflag:$0x6], $0x2000, $0x38;
	[tilespmem:$0x1D000] =	vst v63  }
0x41: {  	_ =	swait.ge [sflag:s26], $0x2000  }
0x42: {  	[sflag:s26] =	ssyncset.done $0x0  }
0x43: {  	s20 =	rddreg [dreg:$0x10];
	[sflag:s26] =	ssyncadd.s32 $0xFFFFE000  }
0x44: {  	[spmem:s20] =	stream.linear.scatter [tilespmem:s25], [sflag:$0x6], $0x2000, $0x38;
	[tilespmem:$0x1D000] =	vst v63  }
0x45: {  	_ =	swait.ge [sflag:s26], $0x2000  }
0x46: {  	[sflag:s26] =	ssyncset.done $0x0  }
0x47: {  	s21 =	rddreg [dreg:$0x11];
	[sflag:s26] =	ssyncadd.s32 $0xFFFFE000  }
0x48: {  	[spmem:s21] =	stream.linear.scatter [tilespmem:s25], [sflag:$0x6], $0x2000, $0x38;
	[tilespmem:$0x1D000] =	vst v63  }
0x49: {  	_ =	swait.ge [sflag:s26], $0x2000  }
0x4a: {  	[sflag:s26] =	ssyncset.done $0x0  }
0x4b: {  	s22 =	rddreg [dreg:$0x12];
	[sflag:s26] =	ssyncadd.s32 $0xFFFFE000  }
0x4c: {  	[spmem:s22] =	stream.linear.scatter [tilespmem:s25], [sflag:$0x6], $0x2000, $0x38;
	[tilespmem:$0x1D000] =	vst v63  }
0x4d: {  	_ =	swait.ge [sflag:s26], $0x2000  }
0x4e: {  	[sflag:s26] =	ssyncset.done $0x0  }
0x4f: {  	s23 =	rddreg [dreg:$0x13];
	[sflag:s26] =	ssyncadd.s32 $0xFFFFE000  }
0x50: {  	[spmem:s23] =	stream.linear.scatter [tilespmem:s25], [sflag:$0x6], $0x2000, $0x38;
	[tilespmem:$0x1D000] =	vst v63  }
0x51: {  	_ =	swait.ge [sflag:s26], $0x2000  }
0x52: {  	[sflag:s26] =	ssyncset.done $0x0  }
0x53: {  	s8 =	rddreg [dreg:$0x14];
	[sflag:s26] =	ssyncadd.s32 $0xFFFFE000  }
0x54: {  	[spmem:s8] =	stream.linear.scatter [tilespmem:s25], [sflag:$0x6], $0x2000, $0x38;
	[tilespmem:$0x1D000] =	vst v63  }
0x55: {  	_ =	swait.ge [sflag:s26], $0x2000  }
0x56: {  	[sflag:s26] =	ssyncset.done $0x0  }
0x57: {  	[sflag:s26] =	ssyncadd.s32 $0xFFFFE000  }
0x58: {  	_ =	swait.ge [sflag:s28], $0x400  }
0x59: {  	[sflag:s28] =	ssyncset.done $0x0  }
0x5a: {  	[sflag:s28] =	ssyncadd.s32 $0xFFFFFC00  }
0x5b: {  	_ =	swait.ge [sflag:s28], $0x400  }
0x5c: {  	[sflag:s28] =	ssyncset.done $0x0  }
0x5d: {  	[sflag:s28] =	ssyncadd.s32 $0xFFFFFC00  }
0x5e: {  	[tilespmem:s25], [sflag:$0x2] =	stream.indirect.gather [hbm4b:s1+s29], $0x80, s10, s29, $0xb8;
	[tilespmem:$0x1D000] =	vst v63  }
0x5f: {  	s11 =	simm.s32 $0x14080;
	s13 =	simm.s32 $0x0;
	s8 =	simm.s32 $0x17000  }
0x60: {  	[tilespmem:s8], [sflag:$0x3] =	stream.indirect.gather [hbm4b:s1+s29], $0x80, s11, s29, $0xb8;
	[tilespmem:$0x1D000] =	vst v63  }
0x61: {  	s12 =	simm.s32 $0x14100;
	s15 =	simm.s32 $0x14400;
	s7 =	sand.u32 $0x1, s13  }
0x62: {  	[tilespmem:s24], [sflag:$0x4] =	stream.indirect.gather [hbm4b:s1+s29], $0x80, s12, s29, $0xb8;
	[tilespmem:$0x1D000] =	vst v63  }
0x63: {  	p0 =	por $0x0, $0x0;
	p1 =	seq.s32 s7, $0x1;
	s14 =	rddreg [dreg:$0x8]  }
0x64: {  	[tilespmem:s15], [sflag:$0x1] =	stream.linear.gather [hbm4b:s14+s13], $0x400, $0x38;
	[tilespmem:$0x1D000] =	vst v63  }
0x65: {  	p0 =	por !p1, p0;
	s17 =	simm.s32 $0x14C00;
	s16 =	rddreg [dreg:$0x9]  }
0x66: {  	[tilespmem:s17], [sflag:$0x1] =	stream.linear.gather [hbm4b:s16+s13], $0x400, $0x38;
	[tilespmem:$0x1D000] =	vst v63  }
0x67: {  	s8 =	simm.s32 @!p0 $0x1;
	[bflag:$0x0] =	sbarrier.arrive $0xFFFF  }
0x68: {  	_ =	swait.ge @!p0 [sflag:s8], $0x400  }
0x69: {  	[sflag:s8] =	ssyncset.done @!p0 $0x0  }
0x6a: {  	[sflag:s8] =	ssyncadd.s32 @!p0 $0xFFFFFC00  }
0x6b: {  	s18 =	simm.s32 $0x180;
	_ =	swait.ge @!p0 [sflag:s8], $0x400  }
0x6c: {  	s7 =	sand.u32 $0x780, s18;
	[sflag:s8] =	ssyncset.done @!p0 $0x0  }
0x6d: {  	s19 =	sor.u32 $0x14000, s7;
	[sflag:s8] =	ssyncadd.s32 @!p0 $0xFFFFFC00  }
0x6e: {  	[tilespmem:s0], [sflag:$0x5] =	stream.indirect.gather [hbm4b:s1+s29], $0x80, s19, s29, $0xb8;
	[tilespmem:$0x1D000] =	vst v63  }
0x6f: {  	s20 =	simm.s32 $0x0;
	_ =	swait.ge [sflag:s30], $0x2000  }
0x70: {  	s8 =	sand.u32 $0x600, s20;
	[sflag:s30] =	ssyncset.done $0x0  }
0x71: {  	s21 =	sor.u32 $0x14800, s8;
	[sflag:s30] =	ssyncadd.s32 $0xFFFFE000  }
0x72: {  	[spmem:s3] =	stream.indirect.scatter.add.f32 [tilespmem:s25], [sflag:$0x6], $0x80, s21, s29, $0xb8;
	[tilespmem:$0x1D000] =	vst v63  }
0x73: {  	_ =	swait.ge [sflag:s26], $0x2000  }
0x74: {  	p0 =	por $0x0, $0x0;
	[sflag:s26] =	ssyncset.done $0x0  }
0x75: {  	s10 =	simm.s32 @p0 $0x3;
	[sflag:s26] =	ssyncadd.s32 $0xFFFFE000  }
0x76: {  	s11 =	sadd.s32 @p0 $0x14880, s8;
	_ =	swait.ge @p0 [sflag:s10], $0x2000  }
0x77: {  	s12 =	simm.s32 @!p0 $0x200;
	s13 =	simm.s32 @p0 $0x6;
	[sflag:s10] =	ssyncset.done @p0 $0x0  }
0x78: {  	s14 =	simm.s32 @p0 $0x40;
	[sflag:s10] =	ssyncadd.s32 @p0 $0xFFFFE000;
	s10 =	simm.s32 @p0 $0x17000  }
0x79: {  	[spmem:s3] =	stream.indirect.scatter.add.f32 @p0 [tilespmem:s10], [sflag:$0x6], $0x80, s11, s14, $0xb8;
	[tilespmem:$0x1D000] =	vst v63  }
0x7a: {  	s10 =	sand.u32 @!p0 $0x600, s12;
	_ =	swait.ge @p0 [sflag:s13], $0x2000  }
0x7b: {  	s11 =	simm.s32 @!p0 $0x3;
	s12 =	simm.s32 @!p0 $0x40;
	[sflag:s13] =	ssyncset.done @p0 $0x0  }
0x7c: {  	s14 =	simm.s32 @!p0 $0x15000;
	s10 =	sor.u32 @!p0 $0x14000, s10;
	[sflag:s13] =	ssyncadd.s32 @p0 $0xFFFFE000  }
0x7d: {  	[tilespmem:s14], [sflag:$0x2] =	stream.indirect.gather @!p0 [hbm4b:s1+s12], $0x80, s10, s12, $0xb8;
	[tilespmem:$0x1D000] =	vst v63  }
0x7e: {  	_ =	swait.ge @!p0 [sflag:s11], $0x2000  }
0x7f: {  	s13 =	simm.s32 @!p0 $0x17000;
	[sflag:s11] =	ssyncset.done @!p0 $0x0  }
0x80: {  	s10 =	sadd.s32 @!p0 $0x14880, s8;
	s14 =	simm.s32 @!p0 $0x6;
	[sflag:s11] =	ssyncadd.s32 @!p0 $0xFFFFE000  }
0x81: {  	[spmem:s3] =	stream.indirect.scatter.add.f32 @!p0 [tilespmem:s13], [sflag:$0x6], $0x80, s10, s12, $0xb8;
	[tilespmem:$0x1D000] =	vst v63  }
0x82: {  	s10 =	simm.s32 @!p0 $0x280;
	_ =	swait.ge @!p0 [sflag:s14], $0x2000  }
0x83: {  	s10 =	sand.u32 @!p0 $0x680, s10;
	[sflag:s14] =	ssyncset.done @!p0 $0x0  }
0x84: {  	s10 =	sor.u32 @!p0 $0x14000, s10;
	[sflag:s14] =	ssyncadd.s32 @!p0 $0xFFFFE000  }
0x85: {  	[tilespmem:s13], [sflag:$0x3] =	stream.indirect.gather @!p0 [hbm4b:s1+s12], $0x80, s10, s12, $0xb8;
	[tilespmem:$0x1D000] =	vst v63  }
0x86: {  	_ =	swait.ge [sflag:s31], $0x2000  }
0x87: {  	[sflag:s31] =	ssyncset.done $0x0  }
0x88: {  	p5 =	por $0x0, $0x0;
	s8 =	sadd.s32 $0x14900, s8;
	[sflag:s31] =	ssyncadd.s32 $0xFFFFE000  }
0x89: {  	[spmem:s3] =	stream.indirect.scatter.add.f32 [tilespmem:s24], [sflag:$0x6], $0x80, s8, s29, $0xb8;
	[tilespmem:$0x1D000] =	vst v63  }
0x8a: {  	s7 =	sor.u32 $0x14800, s7;
	s8 =	simm.s32 $0x300;
	_ =	swait.ge [sflag:s26], $0x2000  }
0x8b: {  	s22 =	simm.s32 $0x3;
	s8 =	sand.u32 @!p0 $0x700, s8;
	[sflag:s26] =	ssyncset.done $0x0  }
0x8c: {  	s10 =	simm.s32 @!p0 $0x19000;
	s8 =	sor.u32 @!p0 $0x14000, s8;
	[sflag:s26] =	ssyncadd.s32 $0xFFFFE000  }
0x8d: {  	[tilespmem:s10], [sflag:$0x4] =	stream.indirect.gather @!p0 [hbm4b:s1+s12], $0x80, s8, s12, $0xb8;
	[tilespmem:$0x1D000] =	vst v63  }
0x8e: {  	s11 =	simm.s32 $0x700;
	s10 =	simm.s32 $0x500;
	_ =	swait.ge [sflag:s4], $0x2000  }
0x8f: {  	s8 =	sand.u32 $0x7, s22;
	p0 =	por $0x0, $0x0;
	[sflag:s4] =	ssyncset.done $0x0  }
0x90: {  	p1 =	sne.s32 @!p0 s8, $0x7;
	s8 =	simm.s32 $0x1;
	[sflag:s4] =	ssyncadd.s32 $0xFFFFE000  }
0x91: {  	[spmem:s3] =	stream.indirect.scatter.add.f32 [tilespmem:s0], [sflag:$0x6], $0x80, s7, s29, $0xb8;
	[tilespmem:$0x1D000] =	vst v63  }
0x92: {  	p2 =	por p1, p0;
	s23 =	sand.u32 $0x1, s8;
	_ =	swait.ge [sflag:s26], $0x2000  }
0x93: {  	s14 =	simm.s32 @!p2 $0x0;
	p6 =	seq.s32 s23, $0x1;
	s12 =	rddreg [dreg:$0x5]  }
0x94: {  	s7 =	simm.s32 $0x7;
	s14 =	sand.u32 @!p2 $0x400, s14;
	s12 =	sadd.s32 @!p2 $0x0, s12  }
0x95: {  	p1 =	por !p6, p5;
	[sflag:s26] =	ssyncset.done $0x0;
	s12 =	sshll.u32 @!p2 s12, $0x7  }
0x96: {  	s23 =	sor.u32 @!p2 $0x14000, s14;
	[sflag:s26] =	ssyncadd.s32 $0xFFFFE000;
	s12 =	sand.u32 @!p2 $0x1FFFFF80, s12  }
.LBB2_4:
0x97: {  	s16 =	sadd.s32 @!p2 s2, s12;
	s17 =	simm.s32 @!p2 $0x0  }
0x98: {  	[tilespmem:s23], [sflag:$0x1] =	stream.linear.gather @!p2 [hbm4b:s16+s17], $0x400, $0x38;
	[tilespmem:$0x1D000] =	vst v63  }
0x99: {  	s18 =	sadd.s32 @!p2 s6, s12;
	s14 =	sor.u32 @!p2 $0x14800, s14;
	s16 =	simm.s32 @!p1 $0x1  }
0x9a: {  	[tilespmem:s14], [sflag:$0x1] =	stream.linear.gather @!p2 [hbm4b:s18+s17], $0x400, $0x38;
	[tilespmem:$0x1D000] =	vst v63  }
0x9b: {  	_ =	swait.ge @!p1 [sflag:s16], $0x400  }
0x9c: {  	[sflag:s16] =	ssyncset.done @!p1 $0x0  }
0x9d: {  	[sflag:s16] =	ssyncadd.s32 @!p1 $0xFFFFFC00  }
0x9e: {  	s19 =	sadd.s32 $0xFFFFFE80, s10;
	_ =	swait.ge @!p1 [sflag:s16], $0x400  }
0x9f: {  	s14 =	sand.u32 $0x780, s19;
	[sflag:s16] =	ssyncset.done @!p1 $0x0  }
0xa0: {  	s20 =	sor.u32 $0x14000, s14;
	[sflag:s16] =	ssyncadd.s32 @!p1 $0xFFFFFC00  }
0xa1: {  	[tilespmem:s0], [sflag:$0x5] =	stream.indirect.gather [hbm4b:s1+s29], $0x80, s20, s29, $0xb8;
	[tilespmem:$0x1D000] =	vst v63  }
0xa2: {  	s21 =	sadd.s32 $0xFFFFFD00, s10;
	_ =	swait.ge [sflag:s30], $0x2000  }
0xa3: {  	s23 =	sand.u32 $0x600, s21;
	[sflag:s30] =	ssyncset.done $0x0  }
0xa4: {  	s16 =	sor.u32 $0x14800, s23;
	[sflag:s30] =	ssyncadd.s32 $0xFFFFE000  }
0xa5: {  	[spmem:s3] =	stream.indirect.scatter.add.f32 [tilespmem:s25], [sflag:$0x6], $0x80, s16, s29, $0xb8;
	[tilespmem:$0x1D000] =	vst v63  }
0xa6: {  	_ =	swait.ge [sflag:s26], $0x2000  }
0xa7: {  	p1 =	seq.s32 s10, $0x5100;
	[sflag:s26] =	ssyncset.done $0x0  }
0xa8: {  	s16 =	simm.s32 @p1 $0x3;
	[sflag:s26] =	ssyncadd.s32 $0xFFFFE000  }
0xa9: {  	s15 =	smov.u32 s11;
	s17 =	sadd.s32 @p1 $0x14880, s23;
	_ =	swait.ge @p1 [sflag:s16], $0x2000  }
0xaa: {  	s18 =	sadd.s32 @!p1 $0xFFFFFF00, s10;
	s20 =	simm.s32 @p1 $0x6;
	[sflag:s16] =	ssyncset.done @p1 $0x0  }
0xab: {  	s21 =	simm.s32 @p1 $0x40;
	s22 =	simm.s32 @p1 $0x17000;
	[sflag:s16] =	ssyncadd.s32 @p1 $0xFFFFE000  }
0xac: {  	[spmem:s3] =	stream.indirect.scatter.add.f32 @p1 [tilespmem:s22], [sflag:$0x6], $0x80, s17, s21, $0xb8;
	[tilespmem:$0x1D000] =	vst v63  }
0xad: {  	s19 =	sadd.s32 @!p1 $0x14880, s23;
	s18 =	sand.u32 @!p1 $0x600, s18;
	_ =	swait.ge @p1 [sflag:s20], $0x2000  }
0xae: {  	s16 =	sor.u32 @!p1 $0x14000, s18;
	s17 =	simm.s32 @!p1 $0x3;
	[sflag:s20] =	ssyncset.done @p1 $0x0  }
0xaf: {  	s21 =	simm.s32 @!p1 $0x40;
	s22 =	simm.s32 @!p1 $0x15000;
	[sflag:s20] =	ssyncadd.s32 @p1 $0xFFFFE000  }
0xb0: {  	[tilespmem:s22], [sflag:$0x2] =	stream.indirect.gather @!p1 [hbm4b:s1+s21], $0x80, s16, s21, $0xb8;
	[tilespmem:$0x1D000] =	vst v63  }
0xb1: {  	s18 =	sadd.s32 @!p1 $0xFFFFFF80, s10;
	s10 =	sand.u32 @!p1 $0x700, s10;
	_ =	swait.ge @!p1 [sflag:s17], $0x2000  }
0xb2: {  	s20 =	simm.s32 @!p1 $0x6;
	s16 =	sor.u32 @!p1 $0x14000, s10;
	[sflag:s17] =	ssyncset.done @!p1 $0x0  }
0xb3: {  	s10 =	smov.u32 s15;
	s15 =	simm.s32 @!p1 $0x17000;
	[sflag:s17] =	ssyncadd.s32 @!p1 $0xFFFFE000  }
0xb4: {  	[spmem:s3] =	stream.indirect.scatter.add.f32 @!p1 [tilespmem:s15], [sflag:$0x6], $0x80, s19, s21, $0xb8;
	[tilespmem:$0x1D000] =	vst v63  }
0xb5: {  	_ =	swait.ge @!p1 [sflag:s20], $0x2000  }
0xb6: {  	s18 =	sand.u32 @!p1 $0x680, s18;
	[sflag:s20] =	ssyncset.done @!p1 $0x0  }
0xb7: {  	s18 =	sor.u32 @!p1 $0x14000, s18;
	[sflag:s20] =	ssyncadd.s32 @!p1 $0xFFFFE000  }
0xb8: {  	[tilespmem:s15], [sflag:$0x3] =	stream.indirect.gather @!p1 [hbm4b:s1+s21], $0x80, s18, s21, $0xb8;
	[tilespmem:$0x1D000] =	vst v63  }
0xb9: {  	_ =	swait.ge [sflag:s31], $0x2000  }
0xba: {  	[sflag:s31] =	ssyncset.done $0x0  }
0xbb: {  	s13 =	smov.u32 s7;
	s22 =	sadd.s32 $0x14900, s23;
	[sflag:s31] =	ssyncadd.s32 $0xFFFFE000  }
0xbc: {  	[spmem:s3] =	stream.indirect.scatter.add.f32 [tilespmem:s24], [sflag:$0x6], $0x80, s22, s29, $0xb8;
	[tilespmem:$0x1D000] =	vst v63  }
0xbd: {  	s12 =	smov.u32 s8;
	s11 =	sadd.s32 $0x200, s11;
	_ =	swait.ge [sflag:s26], $0x2000  }
0xbe: {  	s7 =	sadd.s32 $0x4, s7;
	p0 =	sne.s32 s11, $0x5300;
	[sflag:s26] =	ssyncset.done $0x0  }
0xbf: {  	s13 =	sand.u32 $0x7, s13;
	s15 =	simm.s32 @!p1 $0x19000;
	[sflag:s26] =	ssyncadd.s32 $0xFFFFE000  }
0xc0: {  	[tilespmem:s15], [sflag:$0x4] =	stream.indirect.gather @!p1 [hbm4b:s1+s21], $0x80, s16, s21, $0xb8;
	[tilespmem:$0x1D000] =	vst v63  }
0xc1: {  	s12 =	sshrl.u32 s12, $0x1;
	s14 =	sor.u32 $0x14800, s14;
	_ =	swait.ge [sflag:s4], $0x2000  }
0xc2: {  	p1 =	sgt.u32 s8, $0x23;
	s8 =	sadd.s32 $0x1, s8;
	[sflag:s4] =	ssyncset.done $0x0  }
0xc3: {  	p2 =	sne.s32 @!p1 s13, $0x7;
	p6 =	sgt.u32 s8, $0x25;
	[sflag:s4] =	ssyncadd.s32 $0xFFFFE000  }
0xc4: {  	[spmem:s3] =	stream.indirect.scatter.add.f32 [tilespmem:s0], [sflag:$0x6], $0x80, s14, s29, $0xb8;
	[tilespmem:$0x1D000] =	vst v63  }
.Ltmp1:
0xc5: {  	s23 =	sand.u32 $0x1, s8;
	_ =	swait.ge [sflag:s26], $0x2000;
	(pc) =	sbr.rel @p0 .LBB2_4-.Ltmp1, $4  }
0xc6: {  	p2 =	por p2, p1;
	p3 =	seq.s32 s23, $0x1;
	s13 =	rddreg [dreg:$0x5]  }
0xc7: {  	s15 =	sshll.u32 @!p2 s12, $0xA;
	p1 =	por !p3, p6;
	s12 =	sadd.s32 @!p2 s12, s13  }
0xc8: {  	s14 =	sand.u32 @!p2 $0x400, s15;
	[sflag:s26] =	ssyncset.done $0x0;
	s12 =	sshll.u32 @!p2 s12, $0x7  }
0xc9: {  	s23 =	sor.u32 @!p2 $0x14000, s14;
	[sflag:s26] =	ssyncadd.s32 $0xFFFFE000;
	s12 =	sand.u32 @!p2 $0x1FFFFF80, s12  }
0xca: {  	s11 =	sadd.s32 @!p2 s2, s12;
	s13 =	simm.s32 @!p2 $0x0  }
0xcb: {  	[tilespmem:s23], [sflag:$0x1] =	stream.linear.gather @!p2 [hbm4b:s11+s13], $0x400, $0x38;
	[tilespmem:$0x1D000] =	vst v63  }
0xcc: {  	s14 =	sor.u32 @!p2 $0x14800, s14;
	s11 =	sadd.s32 @!p2 s6, s12;
	s12 =	simm.s32 @!p1 $0x1  }
0xcd: {  	[tilespmem:s14], [sflag:$0x1] =	stream.linear.gather @!p2 [hbm4b:s11+s13], $0x400, $0x38;
	[tilespmem:$0x1D000] =	vst v63  }
0xce: {  	_ =	swait.ge @!p1 [sflag:s12], $0x400  }
0xcf: {  	[sflag:s12] =	ssyncset.done @!p1 $0x0  }
0xd0: {  	[sflag:s12] =	ssyncadd.s32 @!p1 $0xFFFFFC00  }
0xd1: {  	s15 =	sadd.s32 $0xFFFFFE80, s10;
	_ =	swait.ge @!p1 [sflag:s12], $0x400  }
0xd2: {  	s11 =	sand.u32 $0x780, s15;
	[sflag:s12] =	ssyncset.done @!p1 $0x0  }
0xd3: {  	s16 =	sor.u32 $0x14000, s11;
	[sflag:s12] =	ssyncadd.s32 @!p1 $0xFFFFFC00  }
0xd4: {  	[tilespmem:s0], [sflag:$0x5] =	stream.indirect.gather [hbm4b:s1+s29], $0x80, s16, s29, $0xb8;
	[tilespmem:$0x1D000] =	vst v63  }
0xd5: {  	s17 =	sadd.s32 $0xFFFFFD00, s10;
	_ =	swait.ge [sflag:s30], $0x2000  }
0xd6: {  	s12 =	sand.u32 $0x600, s17;
	[sflag:s30] =	ssyncset.done $0x0  }
0xd7: {  	s18 =	sor.u32 $0x14800, s12;
	[sflag:s30] =	ssyncadd.s32 $0xFFFFE000  }
0xd8: {  	[spmem:s3] =	stream.indirect.scatter.add.f32 [tilespmem:s25], [sflag:$0x6], $0x80, s18, s29, $0xb8;
	[tilespmem:$0x1D000] =	vst v63  }
0xd9: {  	_ =	swait.ge [sflag:s26], $0x2000  }
0xda: {  	p0 =	seq.s32 s10, $0x5100;
	[sflag:s26] =	ssyncset.done $0x0  }
0xdb: {  	s13 =	simm.s32 @p0 $0x3;
	[sflag:s26] =	ssyncadd.s32 $0xFFFFE000  }
0xdc: {  	_ =	swait.ge @p0 [sflag:s13], $0x2000  }
0xdd: {  	s15 =	simm.s32 @p0 $0x40;
	[sflag:s13] =	ssyncset.done @p0 $0x0  }
0xde: {  	s14 =	sadd.s32 @p0 $0x14880, s12;
	s16 =	simm.s32 @p0 $0x17000;
	[sflag:s13] =	ssyncadd.s32 @p0 $0xFFFFE000  }
0xdf: {  	[spmem:s3] =	stream.indirect.scatter.add.f32 @p0 [tilespmem:s16], [sflag:$0x6], $0x80, s14, s15, $0xb8;
	[tilespmem:$0x1D000] =	vst v63  }
0xe0: {  	s13 =	sadd.s32 @!p0 $0xFFFFFF00, s10;
	s14 =	simm.s32 @p0 $0x6  }
0xe1: {  	s13 =	sand.u32 @!p0 $0x600, s13;
	_ =	swait.ge @p0 [sflag:s14], $0x2000  }
0xe2: {  	s15 =	simm.s32 @!p0 $0x3;
	s16 =	simm.s32 @!p0 $0x40;
	[sflag:s14] =	ssyncset.done @p0 $0x0  }
0xe3: {  	s13 =	sor.u32 @!p0 $0x14000, s13;
	[sflag:s14] =	ssyncadd.s32 @p0 $0xFFFFE000;
	s14 =	simm.s32 @!p0 $0x15000  }
0xe4: {  	[tilespmem:s14], [sflag:$0x2] =	stream.indirect.gather @!p0 [hbm4b:s1+s16], $0x80, s13, s16, $0xb8;
	[tilespmem:$0x1D000] =	vst v63  }
0xe5: {  	_ =	swait.ge @!p0 [sflag:s15], $0x2000  }
0xe6: {  	s13 =	sadd.s32 @!p0 $0x14880, s12;
	[sflag:s15] =	ssyncset.done @!p0 $0x0  }
0xe7: {  	s14 =	simm.s32 @!p0 $0x17000;
	[sflag:s15] =	ssyncadd.s32 @!p0 $0xFFFFE000;
	s15 =	simm.s32 @!p0 $0x6  }
0xe8: {  	[spmem:s3] =	stream.indirect.scatter.add.f32 @!p0 [tilespmem:s14], [sflag:$0x6], $0x80, s13, s16, $0xb8;
	[tilespmem:$0x1D000] =	vst v63  }
0xe9: {  	s13 =	sadd.s32 @!p0 $0xFFFFFF80, s10;
	_ =	swait.ge @!p0 [sflag:s15], $0x2000  }
0xea: {  	s13 =	sand.u32 @!p0 $0x680, s13;
	[sflag:s15] =	ssyncset.done @!p0 $0x0  }
0xeb: {  	s13 =	sor.u32 @!p0 $0x14000, s13;
	[sflag:s15] =	ssyncadd.s32 @!p0 $0xFFFFE000  }
0xec: {  	[tilespmem:s14], [sflag:$0x3] =	stream.indirect.gather @!p0 [hbm4b:s1+s16], $0x80, s13, s16, $0xb8;
	[tilespmem:$0x1D000] =	vst v63  }
0xed: {  	_ =	swait.ge [sflag:s31], $0x2000  }
0xee: {  	[sflag:s31] =	ssyncset.done $0x0  }
0xef: {  	s12 =	sadd.s32 $0x14900, s12;
	[sflag:s31] =	ssyncadd.s32 $0xFFFFE000  }
0xf0: {  	[spmem:s3] =	stream.indirect.scatter.add.f32 [tilespmem:s24], [sflag:$0x6], $0x80, s12, s29, $0xb8;
	[tilespmem:$0x1D000] =	vst v63  }
0xf1: {  	_ =	swait.ge [sflag:s26], $0x2000  }
0xf2: {  	s10 =	sand.u32 @!p0 $0x700, s10;
	[sflag:s26] =	ssyncset.done $0x0  }
0xf3: {  	s10 =	sor.u32 @!p0 $0x14000, s10;
	s12 =	simm.s32 @!p0 $0x19000;
	[sflag:s26] =	ssyncadd.s32 $0xFFFFE000  }
0xf4: {  	[tilespmem:s12], [sflag:$0x4] =	stream.indirect.gather @!p0 [hbm4b:s1+s16], $0x80, s10, s16, $0xb8;
	[tilespmem:$0x1D000] =	vst v63  }
0xf5: {  	_ =	swait.ge [sflag:s4], $0x2000  }
0xf6: {  	s7 =	sand.u32 $0x7, s7;
	[sflag:s4] =	ssyncset.done $0x0  }
0xf7: {  	s19 =	sor.u32 $0x14800, s11;
	p0 =	sgt.u32 s8, $0x23;
	[sflag:s4] =	ssyncadd.s32 $0xFFFFE000  }
0xf8: {  	[spmem:s3] =	stream.indirect.scatter.add.f32 [tilespmem:s0], [sflag:$0x6], $0x80, s19, s29, $0xb8;
	[tilespmem:$0x1D000] =	vst v63  }
0xf9: {  	p1 =	sne.s32 @!p0 s7, $0x7;
	_ =	swait.ge [sflag:s26], $0x2000  }
0xfa: {  	s7 =	sshrl.u32 s8, $0x1;
	p0 =	por p1, p0;
	s10 =	rddreg [dreg:$0x5]  }
0xfb: {  	s8 =	sadd.s32 @!p0 s7, s10  }
0xfc: {  	s12 =	simm.s32 @!p0 $0x0;
	s7 =	sshll.u32 @!p0 s7, $0xA;
	s8 =	sshll.u32 @!p0 s8, $0x7  }
0xfd: {  	[sflag:s26] =	ssyncset.done $0x0;
	s7 =	sand.u32 @!p0 $0x400, s7;
	s8 =	sand.u32 @!p0 $0x1FFFFF80, s8  }
0xfe: {  	[sflag:s26] =	ssyncadd.s32 $0xFFFFE000;
	s10 =	sor.u32 @!p0 $0x14000, s7;
	s11 =	sadd.s32 @!p0 s2, s8  }
0xff: {  	[tilespmem:s10], [sflag:$0x1] =	stream.linear.gather @!p0 [hbm4b:s11+s12], $0x400, $0x38;
	[tilespmem:$0x1D000] =	vst v63  }
0x100: {  	s20 =	stileid.u32;
	s7 =	sor.u32 @!p0 $0x14800, s7;
	s8 =	sadd.s32 @!p0 s6, s8  }
0x101: {  	[tilespmem:s7], [sflag:$0x1] =	stream.linear.gather @!p0 [hbm4b:s8+s12], $0x400, $0x38;
	[tilespmem:$0x1D000] =	vst v63  }
0x102: {  	s7 =	sshll.u32 s20, $0x6;
	[bflag:$0x0] =	sbarrier.arrive $0xFFFF  }
0x103: {  	s21 =	sshrl.u32 s9, $0x3;
	s7 =	sor.u32 $0x1C06, s7;
	s22 =	rddreg [dreg:$0xa]  }
0x104: {  	[hbm:s22], [sflag:s7] =	dma.local [spmem:s21], $0x2800  }
0x105: {  	_ =	swait.ge [sflag:s26], $0x2800  }
0x106: {  	s5 =	sadd.s32 $0x1, s5;
	s23 =	rddreg [dreg:$0xb]  }
0x107: {  	p0 =	sne.s32 s5, s23  }
.Ltmp2:
0x108: {  	_ = 	snop;
	(pc) =	sbr.rel @p0 .LBB2_1-.Ltmp2, $3  }
0x109: {  	_ =	sdelay $0x1  }
0x10a: {  	[sflag:s26] =	ssyncset.done $0x0  }
0x10b: {  	s10 =	simm.s32 $0x14000;
	[sflag:s26] =	ssyncadd.s32 $0xFFFFD800  }
0x10c: {  	_ =	sfence.sel $0x180000  }
0x10d: {  	[bflag:$0x0] =	sbarrier.arrive $0xFFFF  }
0x10e: {  	_ =	strace $0x90000047  }
0x10f: {  	s0 =	stileid.u32;
	[bflag:$0x2] =	sbarrier.arrive $0xFFFF  }
0x110: {  	p0 =	sne.s32 s0, $0x0;
	s0 =	rddreg [dreg:$0x4]  }
0x111: {  	s0 =	sadd.s32 @!p0 $0x100000, s0  }
0x112: {  	[sflag:s0] =	ssyncadd.tile.s32 @!p0 $0x1;
	_ =	shalt  }
.Lfunc_end2:
_tile_overlayer_lowered:
.L_overlay_start_2:
0x113: {  	(tag) =	ssettag $0x2  }
0x114: {  	s0 =	rddreg [dreg:$0x0];
	s2 =	stileid.u32  }
0x115: {  	s1 =	rddreg [dreg:$0x1];
	p0 =	sne.s32 s2, $0x0  }
0x116: {  	s3 =	rddreg [dreg:$0x2];
	[bflag:$0x3] =	sbarrier.arrive $0xFFFF;
	s2 =	simm.s32 @!p0 $0x1C06  }
0x117: {  	[timem:s3], [sflag:s2] =	dma.local @!p0 [hbm:s0], s1  }
0x118: {  	s0 =	simm.s32 @!p0 $0x6  }
0x119: {  	_ =	swait.ge @!p0 [sflag:s0], s1  }
0x11a: {  	s1 =	ssub.s32 @!p0 $0x0, s1;
	[sflag:s0] =	ssyncset.done @!p0 $0x0  }
0x11b: {  	[sflag:s0] =	ssyncadd.s32 @!p0 s1  }
0x11c: {  	[bflag:$0x3] =	sbarrier.arrive $0xFFFF  }
0x11d: {  	_ =	shalt  }

</sc_bundles>
